<compile_context>
chip_gen: v7x
topology: tpu7x:2x2x1
jax: 0.10.2.dev20260603
libtpu: 0.0.44.dev20260713+nightly
codegen_flags: <defaults>
</compile_context>

<pallas_src>
import functools

import jax
import jax.numpy as jnp
from jax import lax
from jax.experimental import pallas as pl
from jax.experimental.pallas import tpu as pltpu
from jax.experimental.pallas import tpu_sc as plsc

D_HALF = 64
MAX_LINES = 10000
MAX_COLS = 200
NUM_NODES = 100000
N_PER = 3128
CHUNK = 112
NBUF = 3
N_FULL = N_PER // CHUNK
N_GRP = N_FULL // NBUF
TAIL = N_PER - N_FULL * CHUNK
STAGE = 632


def _body(idx_hbm, tab_l_hbm, tab_c_hbm, out_hbm, lines_v, cols_v, buf_l,
          buf_c, tab_l_sh, tab_c_sh, semT, *sems):
    semGL = sems[0:NBUF]
    semGC = sems[NBUF:2 * NBUF]
    semWL = sems[2 * NBUF:3 * NBUF]
    semWC = sems[3 * NBUF:4 * NBUF]
    cid = lax.axis_index("c")
    sid = lax.axis_index("s")
    wid = sid * 2 + cid
    node0 = pl.multiple_of(wid * 3125 - ((wid * 5) & 7), 8)

    st = pl.multiple_of(jnp.minimum(sid * STAGE, MAX_LINES - STAGE), 8)
    d_stage_l = pltpu.async_copy(tab_l_hbm.at[pl.ds(st, STAGE)],
                                 tab_l_sh.at[pl.ds(st, STAGE)], semT)
    d_stage_c = pltpu.async_copy(tab_c_hbm.at[pl.ds(st, STAGE)],
                                 tab_c_sh.at[pl.ds(st, STAGE)], semT)

    pltpu.sync_copy(idx_hbm.at[pl.ds(node0, N_PER)], lines_v)
    pltpu.sync_copy(idx_hbm.at[pl.ds(NUM_NODES + node0, N_PER)], cols_v)

    d_stage_l.wait()
    d_stage_c.wait()
    plsc.subcore_barrier()

    def g_start(c, b):
        return (
            pltpu.async_copy(tab_l_sh.at[lines_v.at[pl.ds(c * CHUNK, CHUNK)]],
                             buf_l.at[pl.ds(b * CHUNK, CHUNK)], semGL[b]),
            pltpu.async_copy(tab_c_sh.at[cols_v.at[pl.ds(c * CHUNK, CHUNK)]],
                             buf_c.at[pl.ds(b * CHUNK, CHUNK)], semGC[b]),
        )

    for b in range(NBUF):
        g_start(b, b)

    def grp(g, carry):
        c0 = g * NBUF
        writes = []
        for b in range(NBUF):
            c = c0 + b
            row = node0 + c * CHUNK
            pltpu.make_async_copy(
                tab_l_sh.at[lines_v.at[pl.ds(c * CHUNK, CHUNK)]],
                buf_l.at[pl.ds(b * CHUNK, CHUNK)], semGL[b]).wait()
            writes.append(pltpu.async_copy(
                buf_l.at[pl.ds(b * CHUNK, CHUNK)],
                out_hbm.at[pl.ds(row, CHUNK), pl.ds(0, D_HALF)], semWL[b]))
            pltpu.make_async_copy(
                tab_c_sh.at[cols_v.at[pl.ds(c * CHUNK, CHUNK)]],
                buf_c.at[pl.ds(b * CHUNK, CHUNK)], semGC[b]).wait()
            writes.append(pltpu.async_copy(
                buf_c.at[pl.ds(b * CHUNK, CHUNK)],
                out_hbm.at[pl.ds(row, CHUNK), pl.ds(D_HALF, D_HALF)],
                semWC[b]))
        for w in writes:
            w.wait()
        for b in range(NBUF):
            c_next = c0 + NBUF + b

            @pl.when(c_next < N_FULL)
            def _():
                g_start(c_next, b)
        return carry

    lax.fori_loop(0, N_GRP, grp, 0)

    row = node0 + N_FULL * CHUNK
    dl = pltpu.async_copy(tab_l_sh.at[lines_v.at[pl.ds(N_FULL * CHUNK, TAIL)]],
                          buf_l.at[pl.ds(0, TAIL)], semGL[0])
    dc = pltpu.async_copy(tab_c_sh.at[cols_v.at[pl.ds(N_FULL * CHUNK, TAIL)]],
                          buf_c.at[pl.ds(0, TAIL)], semGC[0])
    dl.wait()
    pltpu.sync_copy(buf_l.at[pl.ds(0, TAIL)],
                    out_hbm.at[pl.ds(row, TAIL), pl.ds(0, D_HALF)])
    dc.wait()
    pltpu.sync_copy(buf_c.at[pl.ds(0, TAIL)],
                    out_hbm.at[pl.ds(row, TAIL), pl.ds(D_HALF, D_HALF)])


@jax.jit
def _sc_gather(idx_flat, tab_l, tab_c):
    mesh = plsc.VectorSubcoreMesh(core_axis_name="c", subcore_axis_name="s")
    f = pl.kernel(
        _body,
        out_type=jax.ShapeDtypeStruct((NUM_NODES, 2 * D_HALF), jnp.float32),
        mesh=mesh,
        scratch_types=[
            pltpu.VMEM((N_PER,), jnp.int32),
            pltpu.VMEM((N_PER,), jnp.int32),
            pltpu.VMEM((NBUF * CHUNK, D_HALF), jnp.float32),
            pltpu.VMEM((NBUF * CHUNK, D_HALF), jnp.float32),
            pltpu.VMEM_SHARED((MAX_LINES, D_HALF), jnp.float32),
            pltpu.VMEM_SHARED((MAX_LINES, D_HALF), jnp.float32),
            pltpu.SemaphoreType.DMA,
        ] + [pltpu.SemaphoreType.DMA] * (4 * NBUF),
        compiler_params=pltpu.CompilerParams(
            needs_layout_passes=False, use_tc_tiling_on_sc=False),
    )
    return f(idx_flat, tab_l, tab_c)


def kernel(spans, line_table, col_table):
    idx_flat = spans[:, :2].T.astype(jnp.int32).reshape(-1)
    tab_c = jnp.concatenate(
        [col_table,
         jnp.broadcast_to(col_table[MAX_COLS - 1],
                          (MAX_LINES - MAX_COLS, D_HALF))], axis=0)
    return _sc_gather(idx_flat, line_table, tab_c)

# --- scband reference (transcript-rebuilt; emitter-appended) ---
"""Pipeline reference for scband-code-positional-encoding-48172353192357 (READ-ONLY COPY).

The authoritative reference and input builder live on the scoring server;
editing this copy changes nothing except your own understanding.
"""

import jax, jax.numpy as jnp
import numpy as np

D_MODEL = 128
MAX_LINES = 10000
MAX_COLS = 200
NUM_NODES = 100000

def setup_inputs(seed: int = 0) -> dict:
    key = jax.random.key(seed)
    k1, k2, k3 = jax.random.split(key, 3)
    spans = jax.random.randint(k1, (NUM_NODES, 4), 0, 10000, dtype=jnp.int64 if jax.config.jax_enable_x64 else jnp.int32)
    line_table = jax.random.normal(k2, (MAX_LINES, D_MODEL // 2), dtype=jnp.float32)
    col_table = jax.random.normal(k3, (MAX_COLS, D_MODEL // 2), dtype=jnp.float32)
    return {"spans": spans, "line_table": line_table, "col_table": col_table}

def reference(spans, line_table, col_table):
    start_lines = jnp.clip(spans[:, 0], 0, line_table.shape[0] - 1)
    start_cols = jnp.clip(spans[:, 1], 0, col_table.shape[0] - 1)
    line_emb = jnp.take(line_table, start_lines, axis=0)
    col_emb = jnp.take(col_table, start_cols, axis=0)
    return jnp.concatenate([line_emb, col_emb], axis=1)

if __name__ == "__main__":
    import jax
    _d = setup_inputs()
    print(jax.jit(kernel)(*tuple(_d.values())))

</pallas_src>

<mosaic_0001>
#map = affine_map<(d0, d1) -> (0)>
#map1 = affine_map<(d0, d1) -> (0, 0)>
module attributes {stable_mosaic.version = 14 : i64} {
  func.func @_body(%arg0: i32, %arg1: i32, %arg2: memref<200000xi32, #tpu.memory_space<hbm>>, %arg3: memref<10000x64xf32, #tpu.memory_space<hbm>>, %arg4: memref<10000x64xf32, #tpu.memory_space<hbm>>, %arg5: memref<100000x128xf32, #tpu.memory_space<hbm>>, %arg6: memref<3128xi32, #tpu.memory_space<vmem>>, %arg7: memref<3128xi32, #tpu.memory_space<vmem>>, %arg8: memref<336x64xf32, #tpu.memory_space<vmem>>, %arg9: memref<336x64xf32, #tpu.memory_space<vmem>>, %arg10: memref<10000x64xf32, #tpu.memory_space<vmem_shared>>, %arg11: memref<10000x64xf32, #tpu.memory_space<vmem_shared>>, %arg12: memref<!tpu.dma_semaphore, #tpu.memory_space<semaphore_mem>>, %arg13: memref<!tpu.dma_semaphore, #tpu.memory_space<semaphore_mem>>, %arg14: memref<!tpu.dma_semaphore, #tpu.memory_space<semaphore_mem>>, %arg15: memref<!tpu.dma_semaphore, #tpu.memory_space<semaphore_mem>>, %arg16: memref<!tpu.dma_semaphore, #tpu.memory_space<semaphore_mem>>, %arg17: memref<!tpu.dma_semaphore, #tpu.memory_space<semaphore_mem>>, %arg18: memref<!tpu.dma_semaphore, #tpu.memory_space<semaphore_mem>>, %arg19: memref<!tpu.dma_semaphore, #tpu.memory_space<semaphore_mem>>, %arg20: memref<!tpu.dma_semaphore, #tpu.memory_space<semaphore_mem>>, %arg21: memref<!tpu.dma_semaphore, #tpu.memory_space<semaphore_mem>>, %arg22: memref<!tpu.dma_semaphore, #tpu.memory_space<semaphore_mem>>, %arg23: memref<!tpu.dma_semaphore, #tpu.memory_space<semaphore_mem>>, %arg24: memref<!tpu.dma_semaphore, #tpu.memory_space<semaphore_mem>>) attributes {dimension_semantics = [#tpu.dimension_semantics<core_parallel>, #tpu.dimension_semantics<subcore_parallel>], iteration_bounds = array<i64: 2, 16>, scalar_prefetch = 0 : i64, scratch_operands = 19 : i64, tpu.core_type = #tpu.core_type<sc_vector_subcore>, window_params = [{transform_indices = #map}, {transform_indices = #map1}, {transform_indices = #map1}, {transform_indices = #map1}]} {
    %mul3A = arith.constant 2 : i32
    %mul3A_0 = arith.muli %arg1, %mul3A : i32
    %add3A = arith.addi %mul3A_0, %arg0 : i32
    %mul3A_1 = arith.constant 3125 : i32
    %mul3A_2 = arith.muli %add3A, %mul3A_1 : i32
    %mul3A_3 = arith.constant 5 : i32
    %mul3A_4 = arith.muli %add3A, %mul3A_3 : i32
    %and3A = arith.constant 7 : i32
    %and3A_5 = arith.andi %mul3A_4, %and3A : i32
    %sub3A = arith.subi %mul3A_2, %and3A_5 : i32
    %multiple_of3A = tpu.assume_multiple %sub3A, 8 : i32
    %mul3A_6 = arith.constant 632 : i32
    %mul3A_7 = arith.muli %arg1, %mul3A_6 : i32
    %min3A = arith.constant 9368 : i32
    %min3A_8 = arith.minsi %mul3A_7, %min3A : i32
    %multiple_of3A_9 = tpu.assume_multiple %min3A_8, 8 : i32
    %dma_start3A = arith.constant 0 : i32
    %dma_start3A_10 = tpu.memref_slice %arg10[%multiple_of3A_9, %dma_start3A] : memref<10000x64xf32, #tpu.memory_space<vmem_shared>> -> memref<632x64xf32, #tpu.memory_space<vmem_shared>>
    %dma_start3A_11 = arith.constant 0 : i32
    %dma_start3A_12 = tpu.memref_slice %arg3[%multiple_of3A_9, %dma_start3A_11] : memref<10000x64xf32, #tpu.memory_space<hbm>> -> memref<632x64xf32, #tpu.memory_space<hbm>>
    tpu.enqueue_dma source(%dma_start3A_12 : memref<632x64xf32, #tpu.memory_space<hbm>>) target(%dma_start3A_10 : memref<632x64xf32, #tpu.memory_space<vmem_shared>>) target_semaphore(%arg12 : memref<!tpu.dma_semaphore, #tpu.memory_space<semaphore_mem>>)
    %dma_start3A_13 = arith.constant 0 : i32
    %dma_start3A_14 = tpu.memref_slice %arg11[%multiple_of3A_9, %dma_start3A_13] : memref<10000x64xf32, #tpu.memory_space<vmem_shared>> -> memref<632x64xf32, #tpu.memory_space<vmem_shared>>
    %dma_start3A_15 = arith.constant 0 : i32
    %dma_start3A_16 = tpu.memref_slice %arg4[%multiple_of3A_9, %dma_start3A_15] : memref<10000x64xf32, #tpu.memory_space<hbm>> -> memref<632x64xf32, #tpu.memory_space<hbm>>
    tpu.enqueue_dma source(%dma_start3A_16 : memref<632x64xf32, #tpu.memory_space<hbm>>) target(%dma_start3A_14 : memref<632x64xf32, #tpu.memory_space<vmem_shared>>) target_semaphore(%arg12 : memref<!tpu.dma_semaphore, #tpu.memory_space<semaphore_mem>>)
    "tpu.region"() ({
      %run_scoped3A = tpu.sem_alloc : memref<!tpu.dma_semaphore, #tpu.memory_space<semaphore_mem>>
      %dma_start3A_113 = tpu.memref_slice %arg2[%multiple_of3A] : memref<200000xi32, #tpu.memory_space<hbm>> -> memref<3128xi32, #tpu.memory_space<hbm>>
      %dma_start3A_114 = tpu.memref_slice %arg2[%multiple_of3A] : memref<200000xi32, #tpu.memory_space<hbm>> -> memref<3128xi32, #tpu.memory_space<hbm>>
      tpu.enqueue_dma source(%dma_start3A_114 : memref<3128xi32, #tpu.memory_space<hbm>>) target(%arg6 : memref<3128xi32, #tpu.memory_space<vmem>>) target_semaphore(%run_scoped3A : memref<!tpu.dma_semaphore, #tpu.memory_space<semaphore_mem>>)
      %dma_wait3A_115 = tpu.memref_slice %arg2[%multiple_of3A] : memref<200000xi32, #tpu.memory_space<hbm>> -> memref<3128xi32, #tpu.memory_space<hbm>>
      %dma_wait3A_116 = tpu.memref_slice %arg2[%multiple_of3A] : memref<200000xi32, #tpu.memory_space<hbm>> -> memref<3128xi32, #tpu.memory_space<hbm>>
      tpu.wait_dma2 semaphore(%run_scoped3A : memref<!tpu.dma_semaphore, #tpu.memory_space<semaphore_mem>>) src(%dma_wait3A_116 : memref<3128xi32, #tpu.memory_space<hbm>>) dst(%arg6 : memref<3128xi32, #tpu.memory_space<vmem>>)
      tpu.yield
    }) : () -> ()
    %add3A_17 = arith.constant 100000 : i32
    %add3A_18 = arith.addi %add3A_17, %multiple_of3A : i32
    "tpu.region"() ({
      %run_scoped3A = tpu.sem_alloc : memref<!tpu.dma_semaphore, #tpu.memory_space<semaphore_mem>>
      %dma_start3A_113 = tpu.memref_slice %arg2[%add3A_18] : memref<200000xi32, #tpu.memory_space<hbm>> -> memref<3128xi32, #tpu.memory_space<hbm>>
      %dma_start3A_114 = tpu.memref_slice %arg2[%add3A_18] : memref<200000xi32, #tpu.memory_space<hbm>> -> memref<3128xi32, #tpu.memory_space<hbm>>
      tpu.enqueue_dma source(%dma_start3A_114 : memref<3128xi32, #tpu.memory_space<hbm>>) target(%arg7 : memref<3128xi32, #tpu.memory_space<vmem>>) target_semaphore(%run_scoped3A : memref<!tpu.dma_semaphore, #tpu.memory_space<semaphore_mem>>)
      %dma_wait3A_115 = tpu.memref_slice %arg2[%add3A_18] : memref<200000xi32, #tpu.memory_space<hbm>> -> memref<3128xi32, #tpu.memory_space<hbm>>
      %dma_wait3A_116 = tpu.memref_slice %arg2[%add3A_18] : memref<200000xi32, #tpu.memory_space<hbm>> -> memref<3128xi32, #tpu.memory_space<hbm>>
      tpu.wait_dma2 semaphore(%run_scoped3A : memref<!tpu.dma_semaphore, #tpu.memory_space<semaphore_mem>>) src(%dma_wait3A_116 : memref<3128xi32, #tpu.memory_space<hbm>>) dst(%arg7 : memref<3128xi32, #tpu.memory_space<vmem>>)
      tpu.yield
    }) : () -> ()
    %dma_wait3A = arith.constant 0 : i32
    %dma_wait3A_19 = tpu.memref_slice %arg10[%multiple_of3A_9, %dma_wait3A] : memref<10000x64xf32, #tpu.memory_space<vmem_shared>> -> memref<632x64xf32, #tpu.memory_space<vmem_shared>>
    %dma_wait3A_20 = arith.constant 0 : i32
    %dma_wait3A_21 = tpu.memref_slice %arg3[%multiple_of3A_9, %dma_wait3A_20] : memref<10000x64xf32, #tpu.memory_space<hbm>> -> memref<632x64xf32, #tpu.memory_space<hbm>>
    tpu.wait_dma2 semaphore(%arg12 : memref<!tpu.dma_semaphore, #tpu.memory_space<semaphore_mem>>) src(%dma_wait3A_21 : memref<632x64xf32, #tpu.memory_space<hbm>>) dst(%dma_wait3A_19 : memref<632x64xf32, #tpu.memory_space<vmem_shared>>)
    %dma_wait3A_22 = arith.constant 0 : i32
    %dma_wait3A_23 = tpu.memref_slice %arg11[%multiple_of3A_9, %dma_wait3A_22] : memref<10000x64xf32, #tpu.memory_space<vmem_shared>> -> memref<632x64xf32, #tpu.memory_space<vmem_shared>>
    %dma_wait3A_24 = arith.constant 0 : i32
    %dma_wait3A_25 = tpu.memref_slice %arg4[%multiple_of3A_9, %dma_wait3A_24] : memref<10000x64xf32, #tpu.memory_space<hbm>> -> memref<632x64xf32, #tpu.memory_space<hbm>>
    tpu.wait_dma2 semaphore(%arg12 : memref<!tpu.dma_semaphore, #tpu.memory_space<semaphore_mem>>) src(%dma_wait3A_25 : memref<632x64xf32, #tpu.memory_space<hbm>>) dst(%dma_wait3A_23 : memref<632x64xf32, #tpu.memory_space<vmem_shared>>)
    %barrier3A = arith.constant 0 : index
    tpu.barrier barrier_id(%barrier3A)
    %dma_start3A_26 = arith.constant 0 : i32
    %dma_start3A_27 = arith.constant 0 : i32
    %dma_start3A_28 = tpu.memref_slice %arg8[%dma_start3A_26, %dma_start3A_27] : memref<336x64xf32, #tpu.memory_space<vmem>> -> memref<112x64xf32, #tpu.memory_space<vmem>>
    %dma_start3A_29 = arith.constant 0 : i32
    %dma_start3A_30 = tpu.memref_slice %arg6[%dma_start3A_29] : memref<3128xi32, #tpu.memory_space<vmem>> -> memref<112xi32, #tpu.memory_space<vmem>>
    %dma_start3A_31 = arith.constant 0 : i32
    %dma_start3A_32 = arith.constant 0 : i32
    %dma_start3A_33 = tpu.memref_slice %arg10[%dma_start3A_31, %dma_start3A_32] : memref<10000x64xf32, #tpu.memory_space<vmem_shared>> -> memref<10000x64xf32, #tpu.memory_space<vmem_shared>>
    tpu.enqueue_indirect_dma source(%dma_start3A_33 : memref<10000x64xf32, #tpu.memory_space<vmem_shared>>) target(%dma_start3A_28 : memref<112x64xf32, #tpu.memory_space<vmem>>) offsets(%dma_start3A_30 : memref<112xi32, #tpu.memory_space<vmem>>) semaphore(%arg13 : memref<!tpu.dma_semaphore, #tpu.memory_space<semaphore_mem>>)
    %dma_start3A_34 = arith.constant 0 : i32
    %dma_start3A_35 = arith.constant 0 : i32
    %dma_start3A_36 = tpu.memref_slice %arg9[%dma_start3A_34, %dma_start3A_35] : memref<336x64xf32, #tpu.memory_space<vmem>> -> memref<112x64xf32, #tpu.memory_space<vmem>>
    %dma_start3A_37 = arith.constant 0 : i32
    %dma_start3A_38 = tpu.memref_slice %arg7[%dma_start3A_37] : memref<3128xi32, #tpu.memory_space<vmem>> -> memref<112xi32, #tpu.memory_space<vmem>>
    %dma_start3A_39 = arith.constant 0 : i32
    %dma_start3A_40 = arith.constant 0 : i32
    %dma_start3A_41 = tpu.memref_slice %arg11[%dma_start3A_39, %dma_start3A_40] : memref<10000x64xf32, #tpu.memory_space<vmem_shared>> -> memref<10000x64xf32, #tpu.memory_space<vmem_shared>>
    tpu.enqueue_indirect_dma source(%dma_start3A_41 : memref<10000x64xf32, #tpu.memory_space<vmem_shared>>) target(%dma_start3A_36 : memref<112x64xf32, #tpu.memory_space<vmem>>) offsets(%dma_start3A_38 : memref<112xi32, #tpu.memory_space<vmem>>) semaphore(%arg16 : memref<!tpu.dma_semaphore, #tpu.memory_space<semaphore_mem>>)
    %dma_start3A_42 = arith.constant 112 : i32
    %dma_start3A_43 = arith.constant 0 : i32
    %dma_start3A_44 = tpu.memref_slice %arg8[%dma_start3A_42, %dma_start3A_43] : memref<336x64xf32, #tpu.memory_space<vmem>> -> memref<112x64xf32, #tpu.memory_space<vmem>>
    %dma_start3A_45 = arith.constant 112 : i32
    %dma_start3A_46 = tpu.memref_slice %arg6[%dma_start3A_45] : memref<3128xi32, #tpu.memory_space<vmem>> -> memref<112xi32, #tpu.memory_space<vmem>>
    %dma_start3A_47 = arith.constant 0 : i32
    %dma_start3A_48 = arith.constant 0 : i32
    %dma_start3A_49 = tpu.memref_slice %arg10[%dma_start3A_47, %dma_start3A_48] : memref<10000x64xf32, #tpu.memory_space<vmem_shared>> -> memref<10000x64xf32, #tpu.memory_space<vmem_shared>>
    tpu.enqueue_indirect_dma source(%dma_start3A_49 : memref<10000x64xf32, #tpu.memory_space<vmem_shared>>) target(%dma_start3A_44 : memref<112x64xf32, #tpu.memory_space<vmem>>) offsets(%dma_start3A_46 : memref<112xi32, #tpu.memory_space<vmem>>) semaphore(%arg14 : memref<!tpu.dma_semaphore, #tpu.memory_space<semaphore_mem>>)
    %dma_start3A_50 = arith.constant 112 : i32
    %dma_start3A_51 = arith.constant 0 : i32
    %dma_start3A_52 = tpu.memref_slice %arg9[%dma_start3A_50, %dma_start3A_51] : memref<336x64xf32, #tpu.memory_space<vmem>> -> memref<112x64xf32, #tpu.memory_space<vmem>>
    %dma_start3A_53 = arith.constant 112 : i32
    %dma_start3A_54 = tpu.memref_slice %arg7[%dma_start3A_53] : memref<3128xi32, #tpu.memory_space<vmem>> -> memref<112xi32, #tpu.memory_space<vmem>>
    %dma_start3A_55 = arith.constant 0 : i32
    %dma_start3A_56 = arith.constant 0 : i32
    %dma_start3A_57 = tpu.memref_slice %arg11[%dma_start3A_55, %dma_start3A_56] : memref<10000x64xf32, #tpu.memory_space<vmem_shared>> -> memref<10000x64xf32, #tpu.memory_space<vmem_shared>>
    tpu.enqueue_indirect_dma source(%dma_start3A_57 : memref<10000x64xf32, #tpu.memory_space<vmem_shared>>) target(%dma_start3A_52 : memref<112x64xf32, #tpu.memory_space<vmem>>) offsets(%dma_start3A_54 : memref<112xi32, #tpu.memory_space<vmem>>) semaphore(%arg17 : memref<!tpu.dma_semaphore, #tpu.memory_space<semaphore_mem>>)
    %dma_start3A_58 = arith.constant 224 : i32
    %dma_start3A_59 = arith.constant 0 : i32
    %dma_start3A_60 = tpu.memref_slice %arg8[%dma_start3A_58, %dma_start3A_59] : memref<336x64xf32, #tpu.memory_space<vmem>> -> memref<112x64xf32, #tpu.memory_space<vmem>>
    %dma_start3A_61 = arith.constant 224 : i32
    %dma_start3A_62 = tpu.memref_slice %arg6[%dma_start3A_61] : memref<3128xi32, #tpu.memory_space<vmem>> -> memref<112xi32, #tpu.memory_space<vmem>>
    %dma_start3A_63 = arith.constant 0 : i32
    %dma_start3A_64 = arith.constant 0 : i32
    %dma_start3A_65 = tpu.memref_slice %arg10[%dma_start3A_63, %dma_start3A_64] : memref<10000x64xf32, #tpu.memory_space<vmem_shared>> -> memref<10000x64xf32, #tpu.memory_space<vmem_shared>>
    tpu.enqueue_indirect_dma source(%dma_start3A_65 : memref<10000x64xf32, #tpu.memory_space<vmem_shared>>) target(%dma_start3A_60 : memref<112x64xf32, #tpu.memory_space<vmem>>) offsets(%dma_start3A_62 : memref<112xi32, #tpu.memory_space<vmem>>) semaphore(%arg15 : memref<!tpu.dma_semaphore, #tpu.memory_space<semaphore_mem>>)
    %dma_start3A_66 = arith.constant 224 : i32
    %dma_start3A_67 = arith.constant 0 : i32
    %dma_start3A_68 = tpu.memref_slice %arg9[%dma_start3A_66, %dma_start3A_67] : memref<336x64xf32, #tpu.memory_space<vmem>> -> memref<112x64xf32, #tpu.memory_space<vmem>>
    %dma_start3A_69 = arith.constant 224 : i32
    %dma_start3A_70 = tpu.memref_slice %arg7[%dma_start3A_69] : memref<3128xi32, #tpu.memory_space<vmem>> -> memref<112xi32, #tpu.memory_space<vmem>>
    %dma_start3A_71 = arith.constant 0 : i32
    %dma_start3A_72 = arith.constant 0 : i32
    %dma_start3A_73 = tpu.memref_slice %arg11[%dma_start3A_71, %dma_start3A_72] : memref<10000x64xf32, #tpu.memory_space<vmem_shared>> -> memref<10000x64xf32, #tpu.memory_space<vmem_shared>>
    tpu.enqueue_indirect_dma source(%dma_start3A_73 : memref<10000x64xf32, #tpu.memory_space<vmem_shared>>) target(%dma_start3A_68 : memref<112x64xf32, #tpu.memory_space<vmem>>) offsets(%dma_start3A_70 : memref<112xi32, #tpu.memory_space<vmem>>) semaphore(%arg18 : memref<!tpu.dma_semaphore, #tpu.memory_space<semaphore_mem>>)
    %scan3A = arith.constant 0 : i32
    %scan3A_74 = arith.constant 0 : i32
    %scan3A_75 = arith.constant 9 : i32
    %scan3A_76 = arith.addi %scan3A_74, %scan3A_75 : i32
    %scan3A_77 = arith.constant 1 : i32
    scf.for %scan3A_113 = %scan3A_74 to %scan3A_76 step %scan3A_77  : i32 {
      %mul3A_114 = arith.constant 3 : i32
      %mul3A_115 = arith.muli %scan3A_113, %mul3A_114 : i32
      %add3A_116 = arith.constant 0 : i32
      %add3A_117 = arith.addi %mul3A_115, %add3A_116 : i32
      %mul3A_118 = arith.constant 112 : i32
      %mul3A_119 = arith.muli %add3A_117, %mul3A_118 : i32
      %add3A_120 = arith.addi %multiple_of3A, %mul3A_119 : i32
      %mul3A_121 = arith.constant 112 : i32
      %mul3A_122 = arith.muli %add3A_117, %mul3A_121 : i32
      %dma_wait3A_123 = arith.constant 0 : i32
      %dma_wait3A_124 = arith.constant 0 : i32
      %dma_wait3A_125 = tpu.memref_slice %arg8[%dma_wait3A_123, %dma_wait3A_124] : memref<336x64xf32, #tpu.memory_space<vmem>> -> memref<112x64xf32, #tpu.memory_space<vmem>>
      %dma_wait3A_126 = tpu.memref_slice %arg6[%mul3A_122] : memref<3128xi32, #tpu.memory_space<vmem>> -> memref<112xi32, #tpu.memory_space<vmem>>
      %dma_wait3A_127 = arith.constant 0 : i32
      %dma_wait3A_128 = arith.constant 0 : i32
      %dma_wait3A_129 = tpu.memref_slice %arg10[%dma_wait3A_127, %dma_wait3A_128] : memref<10000x64xf32, #tpu.memory_space<vmem_shared>> -> memref<10000x64xf32, #tpu.memory_space<vmem_shared>>
      tpu.wait_indirect_dma semaphore(%arg13 : memref<!tpu.dma_semaphore, #tpu.memory_space<semaphore_mem>>) src(%dma_wait3A_129 : memref<10000x64xf32, #tpu.memory_space<vmem_shared>>) dst(%dma_wait3A_125 : memref<112x64xf32, #tpu.memory_space<vmem>>)
      %dma_start3A_130 = arith.constant 0 : i32
      %dma_start3A_131 = arith.constant 0 : i32
      %dma_start3A_132 = tpu.memref_slice %arg8[%dma_start3A_130, %dma_start3A_131] : memref<336x64xf32, #tpu.memory_space<vmem>> -> memref<112x64xf32, #tpu.memory_space<vmem>>
      %dma_start3A_133 = arith.constant 0 : i32
      %dma_start3A_134 = tpu.memref_slice %arg5[%add3A_120, %dma_start3A_133] : memref<100000x128xf32, #tpu.memory_space<hbm>> -> memref<112x64xf32, #tpu.memory_space<hbm>>
      %dma_start3A_135 = arith.constant 0 : i32
      %dma_start3A_136 = tpu.memref_slice %arg5[%add3A_120, %dma_start3A_135] : memref<100000x128xf32, #tpu.memory_space<hbm>> -> memref<112x64xf32, #tpu.memory_space<hbm>>
      %dma_start3A_137 = arith.constant 0 : i32
      %dma_start3A_138 = arith.constant 0 : i32
      %dma_start3A_139 = tpu.memref_slice %arg8[%dma_start3A_137, %dma_start3A_138] : memref<336x64xf32, #tpu.memory_space<vmem>> -> memref<112x64xf32, #tpu.memory_space<vmem>>
      tpu.enqueue_dma source(%dma_start3A_139 : memref<112x64xf32, #tpu.memory_space<vmem>>) target(%dma_start3A_136 : memref<112x64xf32, #tpu.memory_space<hbm>>) target_semaphore(%arg19 : memref<!tpu.dma_semaphore, #tpu.memory_space<semaphore_mem>>)
      %mul3A_140 = arith.constant 112 : i32
      %mul3A_141 = arith.muli %add3A_117, %mul3A_140 : i32
      %dma_wait3A_142 = arith.constant 0 : i32
      %dma_wait3A_143 = arith.constant 0 : i32
      %dma_wait3A_144 = tpu.memref_slice %arg9[%dma_wait3A_142, %dma_wait3A_143] : memref<336x64xf32, #tpu.memory_space<vmem>> -> memref<112x64xf32, #tpu.memory_space<vmem>>
      %dma_wait3A_145 = tpu.memref_slice %arg7[%mul3A_141] : memref<3128xi32, #tpu.memory_space<vmem>> -> memref<112xi32, #tpu.memory_space<vmem>>
      %dma_wait3A_146 = arith.constant 0 : i32
      %dma_wait3A_147 = arith.constant 0 : i32
      %dma_wait3A_148 = tpu.memref_slice %arg11[%dma_wait3A_146, %dma_wait3A_147] : memref<10000x64xf32, #tpu.memory_space<vmem_shared>> -> memref<10000x64xf32, #tpu.memory_space<vmem_shared>>
      tpu.wait_indirect_dma semaphore(%arg16 : memref<!tpu.dma_semaphore, #tpu.memory_space<semaphore_mem>>) src(%dma_wait3A_148 : memref<10000x64xf32, #tpu.memory_space<vmem_shared>>) dst(%dma_wait3A_144 : memref<112x64xf32, #tpu.memory_space<vmem>>)
      %dma_start3A_149 = arith.constant 0 : i32
      %dma_start3A_150 = arith.constant 0 : i32
      %dma_start3A_151 = tpu.memref_slice %arg9[%dma_start3A_149, %dma_start3A_150] : memref<336x64xf32, #tpu.memory_space<vmem>> -> memref<112x64xf32, #tpu.memory_space<vmem>>
      %dma_start3A_152 = arith.constant 64 : i32
      %dma_start3A_153 = tpu.memref_slice %arg5[%add3A_120, %dma_start3A_152] : memref<100000x128xf32, #tpu.memory_space<hbm>> -> memref<112x64xf32, #tpu.memory_space<hbm>>
      %dma_start3A_154 = arith.constant 64 : i32
      %dma_start3A_155 = tpu.memref_slice %arg5[%add3A_120, %dma_start3A_154] : memref<100000x128xf32, #tpu.memory_space<hbm>> -> memref<112x64xf32, #tpu.memory_space<hbm>>
      %dma_start3A_156 = arith.constant 0 : i32
      %dma_start3A_157 = arith.constant 0 : i32
      %dma_start3A_158 = tpu.memref_slice %arg9[%dma_start3A_156, %dma_start3A_157] : memref<336x64xf32, #tpu.memory_space<vmem>> -> memref<112x64xf32, #tpu.memory_space<vmem>>
      tpu.enqueue_dma source(%dma_start3A_158 : memref<112x64xf32, #tpu.memory_space<vmem>>) target(%dma_start3A_155 : memref<112x64xf32, #tpu.memory_space<hbm>>) target_semaphore(%arg22 : memref<!tpu.dma_semaphore, #tpu.memory_space<semaphore_mem>>)
      %add3A_159 = arith.constant 1 : i32
      %add3A_160 = arith.addi %mul3A_115, %add3A_159 : i32
      %mul3A_161 = arith.constant 112 : i32
      %mul3A_162 = arith.muli %add3A_160, %mul3A_161 : i32
      %add3A_163 = arith.addi %multiple_of3A, %mul3A_162 : i32
      %mul3A_164 = arith.constant 112 : i32
      %mul3A_165 = arith.muli %add3A_160, %mul3A_164 : i32
      %dma_wait3A_166 = arith.constant 112 : i32
      %dma_wait3A_167 = arith.constant 0 : i32
      %dma_wait3A_168 = tpu.memref_slice %arg8[%dma_wait3A_166, %dma_wait3A_167] : memref<336x64xf32, #tpu.memory_space<vmem>> -> memref<112x64xf32, #tpu.memory_space<vmem>>
      %dma_wait3A_169 = tpu.memref_slice %arg6[%mul3A_165] : memref<3128xi32, #tpu.memory_space<vmem>> -> memref<112xi32, #tpu.memory_space<vmem>>
      %dma_wait3A_170 = arith.constant 0 : i32
      %dma_wait3A_171 = arith.constant 0 : i32
      %dma_wait3A_172 = tpu.memref_slice %arg10[%dma_wait3A_170, %dma_wait3A_171] : memref<10000x64xf32, #tpu.memory_space<vmem_shared>> -> memref<10000x64xf32, #tpu.memory_space<vmem_shared>>
      tpu.wait_indirect_dma semaphore(%arg14 : memref<!tpu.dma_semaphore, #tpu.memory_space<semaphore_mem>>) src(%dma_wait3A_172 : memref<10000x64xf32, #tpu.memory_space<vmem_shared>>) dst(%dma_wait3A_168 : memref<112x64xf32, #tpu.memory_space<vmem>>)
      %dma_start3A_173 = arith.constant 112 : i32
      %dma_start3A_174 = arith.constant 0 : i32
      %dma_start3A_175 = tpu.memref_slice %arg8[%dma_start3A_173, %dma_start3A_174] : memref<336x64xf32, #tpu.memory_space<vmem>> -> memref<112x64xf32, #tpu.memory_space<vmem>>
      %dma_start3A_176 = arith.constant 0 : i32
      %dma_start3A_177 = tpu.memref_slice %arg5[%add3A_163, %dma_start3A_176] : memref<100000x128xf32, #tpu.memory_space<hbm>> -> memref<112x64xf32, #tpu.memory_space<hbm>>
      %dma_start3A_178 = arith.constant 0 : i32
      %dma_start3A_179 = tpu.memref_slice %arg5[%add3A_163, %dma_start3A_178] : memref<100000x128xf32, #tpu.memory_space<hbm>> -> memref<112x64xf32, #tpu.memory_space<hbm>>
      %dma_start3A_180 = arith.constant 112 : i32
      %dma_start3A_181 = arith.constant 0 : i32
      %dma_start3A_182 = tpu.memref_slice %arg8[%dma_start3A_180, %dma_start3A_181] : memref<336x64xf32, #tpu.memory_space<vmem>> -> memref<112x64xf32, #tpu.memory_space<vmem>>
      tpu.enqueue_dma source(%dma_start3A_182 : memref<112x64xf32, #tpu.memory_space<vmem>>) target(%dma_start3A_179 : memref<112x64xf32, #tpu.memory_space<hbm>>) target_semaphore(%arg20 : memref<!tpu.dma_semaphore, #tpu.memory_space<semaphore_mem>>)
      %mul3A_183 = arith.constant 112 : i32
      %mul3A_184 = arith.muli %add3A_160, %mul3A_183 : i32
      %dma_wait3A_185 = arith.constant 112 : i32
      %dma_wait3A_186 = arith.constant 0 : i32
      %dma_wait3A_187 = tpu.memref_slice %arg9[%dma_wait3A_185, %dma_wait3A_186] : memref<336x64xf32, #tpu.memory_space<vmem>> -> memref<112x64xf32, #tpu.memory_space<vmem>>
      %dma_wait3A_188 = tpu.memref_slice %arg7[%mul3A_184] : memref<3128xi32, #tpu.memory_space<vmem>> -> memref<112xi32, #tpu.memory_space<vmem>>
      %dma_wait3A_189 = arith.constant 0 : i32
      %dma_wait3A_190 = arith.constant 0 : i32
      %dma_wait3A_191 = tpu.memref_slice %arg11[%dma_wait3A_189, %dma_wait3A_190] : memref<10000x64xf32, #tpu.memory_space<vmem_shared>> -> memref<10000x64xf32, #tpu.memory_space<vmem_shared>>
      tpu.wait_indirect_dma semaphore(%arg17 : memref<!tpu.dma_semaphore, #tpu.memory_space<semaphore_mem>>) src(%dma_wait3A_191 : memref<10000x64xf32, #tpu.memory_space<vmem_shared>>) dst(%dma_wait3A_187 : memref<112x64xf32, #tpu.memory_space<vmem>>)
      %dma_start3A_192 = arith.constant 112 : i32
      %dma_start3A_193 = arith.constant 0 : i32
      %dma_start3A_194 = tpu.memref_slice %arg9[%dma_start3A_192, %dma_start3A_193] : memref<336x64xf32, #tpu.memory_space<vmem>> -> memref<112x64xf32, #tpu.memory_space<vmem>>
      %dma_start3A_195 = arith.constant 64 : i32
      %dma_start3A_196 = tpu.memref_slice %arg5[%add3A_163, %dma_start3A_195] : memref<100000x128xf32, #tpu.memory_space<hbm>> -> memref<112x64xf32, #tpu.memory_space<hbm>>
      %dma_start3A_197 = arith.constant 64 : i32
      %dma_start3A_198 = tpu.memref_slice %arg5[%add3A_163, %dma_start3A_197] : memref<100000x128xf32, #tpu.memory_space<hbm>> -> memref<112x64xf32, #tpu.memory_space<hbm>>
      %dma_start3A_199 = arith.constant 112 : i32
      %dma_start3A_200 = arith.constant 0 : i32
      %dma_start3A_201 = tpu.memref_slice %arg9[%dma_start3A_199, %dma_start3A_200] : memref<336x64xf32, #tpu.memory_space<vmem>> -> memref<112x64xf32, #tpu.memory_space<vmem>>
      tpu.enqueue_dma source(%dma_start3A_201 : memref<112x64xf32, #tpu.memory_space<vmem>>) target(%dma_start3A_198 : memref<112x64xf32, #tpu.memory_space<hbm>>) target_semaphore(%arg23 : memref<!tpu.dma_semaphore, #tpu.memory_space<semaphore_mem>>)
      %add3A_202 = arith.constant 2 : i32
      %add3A_203 = arith.addi %mul3A_115, %add3A_202 : i32
      %mul3A_204 = arith.constant 112 : i32
      %mul3A_205 = arith.muli %add3A_203, %mul3A_204 : i32
      %add3A_206 = arith.addi %multiple_of3A, %mul3A_205 : i32
      %mul3A_207 = arith.constant 112 : i32
      %mul3A_208 = arith.muli %add3A_203, %mul3A_207 : i32
      %dma_wait3A_209 = arith.constant 224 : i32
      %dma_wait3A_210 = arith.constant 0 : i32
      %dma_wait3A_211 = tpu.memref_slice %arg8[%dma_wait3A_209, %dma_wait3A_210] : memref<336x64xf32, #tpu.memory_space<vmem>> -> memref<112x64xf32, #tpu.memory_space<vmem>>
      %dma_wait3A_212 = tpu.memref_slice %arg6[%mul3A_208] : memref<3128xi32, #tpu.memory_space<vmem>> -> memref<112xi32, #tpu.memory_space<vmem>>
      %dma_wait3A_213 = arith.constant 0 : i32
      %dma_wait3A_214 = arith.constant 0 : i32
      %dma_wait3A_215 = tpu.memref_slice %arg10[%dma_wait3A_213, %dma_wait3A_214] : memref<10000x64xf32, #tpu.memory_space<vmem_shared>> -> memref<10000x64xf32, #tpu.memory_space<vmem_shared>>
      tpu.wait_indirect_dma semaphore(%arg15 : memref<!tpu.dma_semaphore, #tpu.memory_space<semaphore_mem>>) src(%dma_wait3A_215 : memref<10000x64xf32, #tpu.memory_space<vmem_shared>>) dst(%dma_wait3A_211 : memref<112x64xf32, #tpu.memory_space<vmem>>)
      %dma_start3A_216 = arith.constant 224 : i32
      %dma_start3A_217 = arith.constant 0 : i32
      %dma_start3A_218 = tpu.memref_slice %arg8[%dma_start3A_216, %dma_start3A_217] : memref<336x64xf32, #tpu.memory_space<vmem>> -> memref<112x64xf32, #tpu.memory_space<vmem>>
      %dma_start3A_219 = arith.constant 0 : i32
      %dma_start3A_220 = tpu.memref_slice %arg5[%add3A_206, %dma_start3A_219] : memref<100000x128xf32, #tpu.memory_space<hbm>> -> memref<112x64xf32, #tpu.memory_space<hbm>>
      %dma_start3A_221 = arith.constant 0 : i32
      %dma_start3A_222 = tpu.memref_slice %arg5[%add3A_206, %dma_start3A_221] : memref<100000x128xf32, #tpu.memory_space<hbm>> -> memref<112x64xf32, #tpu.memory_space<hbm>>
      %dma_start3A_223 = arith.constant 224 : i32
      %dma_start3A_224 = arith.constant 0 : i32
      %dma_start3A_225 = tpu.memref_slice %arg8[%dma_start3A_223, %dma_start3A_224] : memref<336x64xf32, #tpu.memory_space<vmem>> -> memref<112x64xf32, #tpu.memory_space<vmem>>
      tpu.enqueue_dma source(%dma_start3A_225 : memref<112x64xf32, #tpu.memory_space<vmem>>) target(%dma_start3A_222 : memref<112x64xf32, #tpu.memory_space<hbm>>) target_semaphore(%arg21 : memref<!tpu.dma_semaphore, #tpu.memory_space<semaphore_mem>>)
      %mul3A_226 = arith.constant 112 : i32
      %mul3A_227 = arith.muli %add3A_203, %mul3A_226 : i32
      %dma_wait3A_228 = arith.constant 224 : i32
      %dma_wait3A_229 = arith.constant 0 : i32
      %dma_wait3A_230 = tpu.memref_slice %arg9[%dma_wait3A_228, %dma_wait3A_229] : memref<336x64xf32, #tpu.memory_space<vmem>> -> memref<112x64xf32, #tpu.memory_space<vmem>>
      %dma_wait3A_231 = tpu.memref_slice %arg7[%mul3A_227] : memref<3128xi32, #tpu.memory_space<vmem>> -> memref<112xi32, #tpu.memory_space<vmem>>
      %dma_wait3A_232 = arith.constant 0 : i32
      %dma_wait3A_233 = arith.constant 0 : i32
      %dma_wait3A_234 = tpu.memref_slice %arg11[%dma_wait3A_232, %dma_wait3A_233] : memref<10000x64xf32, #tpu.memory_space<vmem_shared>> -> memref<10000x64xf32, #tpu.memory_space<vmem_shared>>
      tpu.wait_indirect_dma semaphore(%arg18 : memref<!tpu.dma_semaphore, #tpu.memory_space<semaphore_mem>>) src(%dma_wait3A_234 : memref<10000x64xf32, #tpu.memory_space<vmem_shared>>) dst(%dma_wait3A_230 : memref<112x64xf32, #tpu.memory_space<vmem>>)
      %dma_start3A_235 = arith.constant 224 : i32
      %dma_start3A_236 = arith.constant 0 : i32
      %dma_start3A_237 = tpu.memref_slice %arg9[%dma_start3A_235, %dma_start3A_236] : memref<336x64xf32, #tpu.memory_space<vmem>> -> memref<112x64xf32, #tpu.memory_space<vmem>>
      %dma_start3A_238 = arith.constant 64 : i32
      %dma_start3A_239 = tpu.memref_slice %arg5[%add3A_206, %dma_start3A_238] : memref<100000x128xf32, #tpu.memory_space<hbm>> -> memref<112x64xf32, #tpu.memory_space<hbm>>
      %dma_start3A_240 = arith.constant 64 : i32
      %dma_start3A_241 = tpu.memref_slice %arg5[%add3A_206, %dma_start3A_240] : memref<100000x128xf32, #tpu.memory_space<hbm>> -> memref<112x64xf32, #tpu.memory_space<hbm>>
      %dma_start3A_242 = arith.constant 224 : i32
      %dma_start3A_243 = arith.constant 0 : i32
      %dma_start3A_244 = tpu.memref_slice %arg9[%dma_start3A_242, %dma_start3A_243] : memref<336x64xf32, #tpu.memory_space<vmem>> -> memref<112x64xf32, #tpu.memory_space<vmem>>
      tpu.enqueue_dma source(%dma_start3A_244 : memref<112x64xf32, #tpu.memory_space<vmem>>) target(%dma_start3A_241 : memref<112x64xf32, #tpu.memory_space<hbm>>) target_semaphore(%arg24 : memref<!tpu.dma_semaphore, #tpu.memory_space<semaphore_mem>>)
      %dma_wait3A_245 = arith.constant 0 : i32
      %dma_wait3A_246 = arith.constant 0 : i32
      %dma_wait3A_247 = tpu.memref_slice %arg8[%dma_wait3A_245, %dma_wait3A_246] : memref<336x64xf32, #tpu.memory_space<vmem>> -> memref<112x64xf32, #tpu.memory_space<vmem>>
      %dma_wait3A_248 = arith.constant 0 : i32
      %dma_wait3A_249 = tpu.memref_slice %arg5[%add3A_120, %dma_wait3A_248] : memref<100000x128xf32, #tpu.memory_space<hbm>> -> memref<112x64xf32, #tpu.memory_space<hbm>>
      %dma_wait3A_250 = arith.constant 0 : i32
      %dma_wait3A_251 = tpu.memref_slice %arg5[%add3A_120, %dma_wait3A_250] : memref<100000x128xf32, #tpu.memory_space<hbm>> -> memref<112x64xf32, #tpu.memory_space<hbm>>
      %dma_wait3A_252 = arith.constant 0 : i32
      %dma_wait3A_253 = arith.constant 0 : i32
      %dma_wait3A_254 = tpu.memref_slice %arg8[%dma_wait3A_252, %dma_wait3A_253] : memref<336x64xf32, #tpu.memory_space<vmem>> -> memref<112x64xf32, #tpu.memory_space<vmem>>
      tpu.wait_dma2 semaphore(%arg19 : memref<!tpu.dma_semaphore, #tpu.memory_space<semaphore_mem>>) src(%dma_wait3A_254 : memref<112x64xf32, #tpu.memory_space<vmem>>) dst(%dma_wait3A_251 : memref<112x64xf32, #tpu.memory_space<hbm>>)
      %dma_wait3A_255 = arith.constant 0 : i32
      %dma_wait3A_256 = arith.constant 0 : i32
      %dma_wait3A_257 = tpu.memref_slice %arg9[%dma_wait3A_255, %dma_wait3A_256] : memref<336x64xf32, #tpu.memory_space<vmem>> -> memref<112x64xf32, #tpu.memory_space<vmem>>
      %dma_wait3A_258 = arith.constant 64 : i32
      %dma_wait3A_259 = tpu.memref_slice %arg5[%add3A_120, %dma_wait3A_258] : memref<100000x128xf32, #tpu.memory_space<hbm>> -> memref<112x64xf32, #tpu.memory_space<hbm>>
      %dma_wait3A_260 = arith.constant 64 : i32
      %dma_wait3A_261 = tpu.memref_slice %arg5[%add3A_120, %dma_wait3A_260] : memref<100000x128xf32, #tpu.memory_space<hbm>> -> memref<112x64xf32, #tpu.memory_space<hbm>>
      %dma_wait3A_262 = arith.constant 0 : i32
      %dma_wait3A_263 = arith.constant 0 : i32
      %dma_wait3A_264 = tpu.memref_slice %arg9[%dma_wait3A_262, %dma_wait3A_263] : memref<336x64xf32, #tpu.memory_space<vmem>> -> memref<112x64xf32, #tpu.memory_space<vmem>>
      tpu.wait_dma2 semaphore(%arg22 : memref<!tpu.dma_semaphore, #tpu.memory_space<semaphore_mem>>) src(%dma_wait3A_264 : memref<112x64xf32, #tpu.memory_space<vmem>>) dst(%dma_wait3A_261 : memref<112x64xf32, #tpu.memory_space<hbm>>)
      %dma_wait3A_265 = arith.constant 112 : i32
      %dma_wait3A_266 = arith.constant 0 : i32
      %dma_wait3A_267 = tpu.memref_slice %arg8[%dma_wait3A_265, %dma_wait3A_266] : memref<336x64xf32, #tpu.memory_space<vmem>> -> memref<112x64xf32, #tpu.memory_space<vmem>>
      %dma_wait3A_268 = arith.constant 0 : i32
      %dma_wait3A_269 = tpu.memref_slice %arg5[%add3A_163, %dma_wait3A_268] : memref<100000x128xf32, #tpu.memory_space<hbm>> -> memref<112x64xf32, #tpu.memory_space<hbm>>
      %dma_wait3A_270 = arith.constant 0 : i32
      %dma_wait3A_271 = tpu.memref_slice %arg5[%add3A_163, %dma_wait3A_270] : memref<100000x128xf32, #tpu.memory_space<hbm>> -> memref<112x64xf32, #tpu.memory_space<hbm>>
      %dma_wait3A_272 = arith.constant 112 : i32
      %dma_wait3A_273 = arith.constant 0 : i32
      %dma_wait3A_274 = tpu.memref_slice %arg8[%dma_wait3A_272, %dma_wait3A_273] : memref<336x64xf32, #tpu.memory_space<vmem>> -> memref<112x64xf32, #tpu.memory_space<vmem>>
      tpu.wait_dma2 semaphore(%arg20 : memref<!tpu.dma_semaphore, #tpu.memory_space<semaphore_mem>>) src(%dma_wait3A_274 : memref<112x64xf32, #tpu.memory_space<vmem>>) dst(%dma_wait3A_271 : memref<112x64xf32, #tpu.memory_space<hbm>>)
      %dma_wait3A_275 = arith.constant 112 : i32
      %dma_wait3A_276 = arith.constant 0 : i32
      %dma_wait3A_277 = tpu.memref_slice %arg9[%dma_wait3A_275, %dma_wait3A_276] : memref<336x64xf32, #tpu.memory_space<vmem>> -> memref<112x64xf32, #tpu.memory_space<vmem>>
      %dma_wait3A_278 = arith.constant 64 : i32
      %dma_wait3A_279 = tpu.memref_slice %arg5[%add3A_163, %dma_wait3A_278] : memref<100000x128xf32, #tpu.memory_space<hbm>> -> memref<112x64xf32, #tpu.memory_space<hbm>>
      %dma_wait3A_280 = arith.constant 64 : i32
      %dma_wait3A_281 = tpu.memref_slice %arg5[%add3A_163, %dma_wait3A_280] : memref<100000x128xf32, #tpu.memory_space<hbm>> -> memref<112x64xf32, #tpu.memory_space<hbm>>
      %dma_wait3A_282 = arith.constant 112 : i32
      %dma_wait3A_283 = arith.constant 0 : i32
      %dma_wait3A_284 = tpu.memref_slice %arg9[%dma_wait3A_282, %dma_wait3A_283] : memref<336x64xf32, #tpu.memory_space<vmem>> -> memref<112x64xf32, #tpu.memory_space<vmem>>
      tpu.wait_dma2 semaphore(%arg23 : memref<!tpu.dma_semaphore, #tpu.memory_space<semaphore_mem>>) src(%dma_wait3A_284 : memref<112x64xf32, #tpu.memory_space<vmem>>) dst(%dma_wait3A_281 : memref<112x64xf32, #tpu.memory_space<hbm>>)
      %dma_wait3A_285 = arith.constant 224 : i32
      %dma_wait3A_286 = arith.constant 0 : i32
      %dma_wait3A_287 = tpu.memref_slice %arg8[%dma_wait3A_285, %dma_wait3A_286] : memref<336x64xf32, #tpu.memory_space<vmem>> -> memref<112x64xf32, #tpu.memory_space<vmem>>
      %dma_wait3A_288 = arith.constant 0 : i32
      %dma_wait3A_289 = tpu.memref_slice %arg5[%add3A_206, %dma_wait3A_288] : memref<100000x128xf32, #tpu.memory_space<hbm>> -> memref<112x64xf32, #tpu.memory_space<hbm>>
      %dma_wait3A_290 = arith.constant 0 : i32
      %dma_wait3A_291 = tpu.memref_slice %arg5[%add3A_206, %dma_wait3A_290] : memref<100000x128xf32, #tpu.memory_space<hbm>> -> memref<112x64xf32, #tpu.memory_space<hbm>>
      %dma_wait3A_292 = arith.constant 224 : i32
      %dma_wait3A_293 = arith.constant 0 : i32
      %dma_wait3A_294 = tpu.memref_slice %arg8[%dma_wait3A_292, %dma_wait3A_293] : memref<336x64xf32, #tpu.memory_space<vmem>> -> memref<112x64xf32, #tpu.memory_space<vmem>>
      tpu.wait_dma2 semaphore(%arg21 : memref<!tpu.dma_semaphore, #tpu.memory_space<semaphore_mem>>) src(%dma_wait3A_294 : memref<112x64xf32, #tpu.memory_space<vmem>>) dst(%dma_wait3A_291 : memref<112x64xf32, #tpu.memory_space<hbm>>)
      %dma_wait3A_295 = arith.constant 224 : i32
      %dma_wait3A_296 = arith.constant 0 : i32
      %dma_wait3A_297 = tpu.memref_slice %arg9[%dma_wait3A_295, %dma_wait3A_296] : memref<336x64xf32, #tpu.memory_space<vmem>> -> memref<112x64xf32, #tpu.memory_space<vmem>>
      %dma_wait3A_298 = arith.constant 64 : i32
      %dma_wait3A_299 = tpu.memref_slice %arg5[%add3A_206, %dma_wait3A_298] : memref<100000x128xf32, #tpu.memory_space<hbm>> -> memref<112x64xf32, #tpu.memory_space<hbm>>
      %dma_wait3A_300 = arith.constant 64 : i32
      %dma_wait3A_301 = tpu.memref_slice %arg5[%add3A_206, %dma_wait3A_300] : memref<100000x128xf32, #tpu.memory_space<hbm>> -> memref<112x64xf32, #tpu.memory_space<hbm>>
      %dma_wait3A_302 = arith.constant 224 : i32
      %dma_wait3A_303 = arith.constant 0 : i32
      %dma_wait3A_304 = tpu.memref_slice %arg9[%dma_wait3A_302, %dma_wait3A_303] : memref<336x64xf32, #tpu.memory_space<vmem>> -> memref<112x64xf32, #tpu.memory_space<vmem>>
      tpu.wait_dma2 semaphore(%arg24 : memref<!tpu.dma_semaphore, #tpu.memory_space<semaphore_mem>>) src(%dma_wait3A_304 : memref<112x64xf32, #tpu.memory_space<vmem>>) dst(%dma_wait3A_301 : memref<112x64xf32, #tpu.memory_space<hbm>>)
      %add3A_305 = arith.constant 3 : i32
      %add3A_306 = arith.addi %mul3A_115, %add3A_305 : i32
      %add3A_307 = arith.constant 0 : i32
      %add3A_308 = arith.addi %add3A_306, %add3A_307 : i32
      %lt3A = arith.constant 27 : i32
      %lt3A_309 = arith.cmpi slt, %add3A_308, %lt3A : i32
      %convert_element_type3A = arith.extui %lt3A_309 : i1 to i32
      %cond3A = arith.constant 0 : i32
      %cond3A_310 = arith.cmpi ne, %convert_element_type3A, %cond3A : i32
      scf.if %cond3A_310 {
        %mul3A_329 = arith.constant 112 : i32
        %mul3A_330 = arith.muli %add3A_308, %mul3A_329 : i32
        %dma_start3A_331 = arith.constant 0 : i32
        %dma_start3A_332 = arith.constant 0 : i32
        %dma_start3A_333 = tpu.memref_slice %arg8[%dma_start3A_331, %dma_start3A_332] : memref<336x64xf32, #tpu.memory_space<vmem>> -> memref<112x64xf32, #tpu.memory_space<vmem>>
        %dma_start3A_334 = tpu.memref_slice %arg6[%mul3A_330] : memref<3128xi32, #tpu.memory_space<vmem>> -> memref<112xi32, #tpu.memory_space<vmem>>
        %dma_start3A_335 = arith.constant 0 : i32
        %dma_start3A_336 = arith.constant 0 : i32
        %dma_start3A_337 = tpu.memref_slice %arg10[%dma_start3A_335, %dma_start3A_336] : memref<10000x64xf32, #tpu.memory_space<vmem_shared>> -> memref<10000x64xf32, #tpu.memory_space<vmem_shared>>
        tpu.enqueue_indirect_dma source(%dma_start3A_337 : memref<10000x64xf32, #tpu.memory_space<vmem_shared>>) target(%dma_start3A_333 : memref<112x64xf32, #tpu.memory_space<vmem>>) offsets(%dma_start3A_334 : memref<112xi32, #tpu.memory_space<vmem>>) semaphore(%arg13 : memref<!tpu.dma_semaphore, #tpu.memory_space<semaphore_mem>>)
        %mul3A_338 = arith.constant 112 : i32
        %mul3A_339 = arith.muli %add3A_308, %mul3A_338 : i32
        %dma_start3A_340 = arith.constant 0 : i32
        %dma_start3A_341 = arith.constant 0 : i32
        %dma_start3A_342 = tpu.memref_slice %arg9[%dma_start3A_340, %dma_start3A_341] : memref<336x64xf32, #tpu.memory_space<vmem>> -> memref<112x64xf32, #tpu.memory_space<vmem>>
        %dma_start3A_343 = tpu.memref_slice %arg7[%mul3A_339] : memref<3128xi32, #tpu.memory_space<vmem>> -> memref<112xi32, #tpu.memory_space<vmem>>
        %dma_start3A_344 = arith.constant 0 : i32
        %dma_start3A_345 = arith.constant 0 : i32
        %dma_start3A_346 = tpu.memref_slice %arg11[%dma_start3A_344, %dma_start3A_345] : memref<10000x64xf32, #tpu.memory_space<vmem_shared>> -> memref<10000x64xf32, #tpu.memory_space<vmem_shared>>
        tpu.enqueue_indirect_dma source(%dma_start3A_346 : memref<10000x64xf32, #tpu.memory_space<vmem_shared>>) target(%dma_start3A_342 : memref<112x64xf32, #tpu.memory_space<vmem>>) offsets(%dma_start3A_343 : memref<112xi32, #tpu.memory_space<vmem>>) semaphore(%arg16 : memref<!tpu.dma_semaphore, #tpu.memory_space<semaphore_mem>>)
      } else {
      }
      %add3A_311 = arith.constant 3 : i32
      %add3A_312 = arith.addi %mul3A_115, %add3A_311 : i32
      %add3A_313 = arith.constant 1 : i32
      %add3A_314 = arith.addi %add3A_312, %add3A_313 : i32
      %lt3A_315 = arith.constant 27 : i32
      %lt3A_316 = arith.cmpi slt, %add3A_314, %lt3A_315 : i32
      %convert_element_type3A_317 = arith.extui %lt3A_316 : i1 to i32
      %cond3A_318 = arith.constant 0 : i32
      %cond3A_319 = arith.cmpi ne, %convert_element_type3A_317, %cond3A_318 : i32
      scf.if %cond3A_319 {
        %mul3A_329 = arith.constant 112 : i32
        %mul3A_330 = arith.muli %add3A_314, %mul3A_329 : i32
        %dma_start3A_331 = arith.constant 112 : i32
        %dma_start3A_332 = arith.constant 0 : i32
        %dma_start3A_333 = tpu.memref_slice %arg8[%dma_start3A_331, %dma_start3A_332] : memref<336x64xf32, #tpu.memory_space<vmem>> -> memref<112x64xf32, #tpu.memory_space<vmem>>
        %dma_start3A_334 = tpu.memref_slice %arg6[%mul3A_330] : memref<3128xi32, #tpu.memory_space<vmem>> -> memref<112xi32, #tpu.memory_space<vmem>>
        %dma_start3A_335 = arith.constant 0 : i32
        %dma_start3A_336 = arith.constant 0 : i32
        %dma_start3A_337 = tpu.memref_slice %arg10[%dma_start3A_335, %dma_start3A_336] : memref<10000x64xf32, #tpu.memory_space<vmem_shared>> -> memref<10000x64xf32, #tpu.memory_space<vmem_shared>>
        tpu.enqueue_indirect_dma source(%dma_start3A_337 : memref<10000x64xf32, #tpu.memory_space<vmem_shared>>) target(%dma_start3A_333 : memref<112x64xf32, #tpu.memory_space<vmem>>) offsets(%dma_start3A_334 : memref<112xi32, #tpu.memory_space<vmem>>) semaphore(%arg14 : memref<!tpu.dma_semaphore, #tpu.memory_space<semaphore_mem>>)
        %mul3A_338 = arith.constant 112 : i32
        %mul3A_339 = arith.muli %add3A_314, %mul3A_338 : i32
        %dma_start3A_340 = arith.constant 112 : i32
        %dma_start3A_341 = arith.constant 0 : i32
        %dma_start3A_342 = tpu.memref_slice %arg9[%dma_start3A_340, %dma_start3A_341] : memref<336x64xf32, #tpu.memory_space<vmem>> -> memref<112x64xf32, #tpu.memory_space<vmem>>
        %dma_start3A_343 = tpu.memref_slice %arg7[%mul3A_339] : memref<3128xi32, #tpu.memory_space<vmem>> -> memref<112xi32, #tpu.memory_space<vmem>>
        %dma_start3A_344 = arith.constant 0 : i32
        %dma_start3A_345 = arith.constant 0 : i32
        %dma_start3A_346 = tpu.memref_slice %arg11[%dma_start3A_344, %dma_start3A_345] : memref<10000x64xf32, #tpu.memory_space<vmem_shared>> -> memref<10000x64xf32, #tpu.memory_space<vmem_shared>>
        tpu.enqueue_indirect_dma source(%dma_start3A_346 : memref<10000x64xf32, #tpu.memory_space<vmem_shared>>) target(%dma_start3A_342 : memref<112x64xf32, #tpu.memory_space<vmem>>) offsets(%dma_start3A_343 : memref<112xi32, #tpu.memory_space<vmem>>) semaphore(%arg17 : memref<!tpu.dma_semaphore, #tpu.memory_space<semaphore_mem>>)
      } else {
      }
      %add3A_320 = arith.constant 3 : i32
      %add3A_321 = arith.addi %mul3A_115, %add3A_320 : i32
      %add3A_322 = arith.constant 2 : i32
      %add3A_323 = arith.addi %add3A_321, %add3A_322 : i32
      %lt3A_324 = arith.constant 27 : i32
      %lt3A_325 = arith.cmpi slt, %add3A_323, %lt3A_324 : i32
      %convert_element_type3A_326 = arith.extui %lt3A_325 : i1 to i32
      %cond3A_327 = arith.constant 0 : i32
      %cond3A_328 = arith.cmpi ne, %convert_element_type3A_326, %cond3A_327 : i32
      scf.if %cond3A_328 {
        %mul3A_329 = arith.constant 112 : i32
        %mul3A_330 = arith.muli %add3A_323, %mul3A_329 : i32
        %dma_start3A_331 = arith.constant 224 : i32
        %dma_start3A_332 = arith.constant 0 : i32
        %dma_start3A_333 = tpu.memref_slice %arg8[%dma_start3A_331, %dma_start3A_332] : memref<336x64xf32, #tpu.memory_space<vmem>> -> memref<112x64xf32, #tpu.memory_space<vmem>>
        %dma_start3A_334 = tpu.memref_slice %arg6[%mul3A_330] : memref<3128xi32, #tpu.memory_space<vmem>> -> memref<112xi32, #tpu.memory_space<vmem>>
        %dma_start3A_335 = arith.constant 0 : i32
        %dma_start3A_336 = arith.constant 0 : i32
        %dma_start3A_337 = tpu.memref_slice %arg10[%dma_start3A_335, %dma_start3A_336] : memref<10000x64xf32, #tpu.memory_space<vmem_shared>> -> memref<10000x64xf32, #tpu.memory_space<vmem_shared>>
        tpu.enqueue_indirect_dma source(%dma_start3A_337 : memref<10000x64xf32, #tpu.memory_space<vmem_shared>>) target(%dma_start3A_333 : memref<112x64xf32, #tpu.memory_space<vmem>>) offsets(%dma_start3A_334 : memref<112xi32, #tpu.memory_space<vmem>>) semaphore(%arg15 : memref<!tpu.dma_semaphore, #tpu.memory_space<semaphore_mem>>)
        %mul3A_338 = arith.constant 112 : i32
        %mul3A_339 = arith.muli %add3A_323, %mul3A_338 : i32
        %dma_start3A_340 = arith.constant 224 : i32
        %dma_start3A_341 = arith.constant 0 : i32
        %dma_start3A_342 = tpu.memref_slice %arg9[%dma_start3A_340, %dma_start3A_341] : memref<336x64xf32, #tpu.memory_space<vmem>> -> memref<112x64xf32, #tpu.memory_space<vmem>>
        %dma_start3A_343 = tpu.memref_slice %arg7[%mul3A_339] : memref<3128xi32, #tpu.memory_space<vmem>> -> memref<112xi32, #tpu.memory_space<vmem>>
        %dma_start3A_344 = arith.constant 0 : i32
        %dma_start3A_345 = arith.constant 0 : i32
        %dma_start3A_346 = tpu.memref_slice %arg11[%dma_start3A_344, %dma_start3A_345] : memref<10000x64xf32, #tpu.memory_space<vmem_shared>> -> memref<10000x64xf32, #tpu.memory_space<vmem_shared>>
        tpu.enqueue_indirect_dma source(%dma_start3A_346 : memref<10000x64xf32, #tpu.memory_space<vmem_shared>>) target(%dma_start3A_342 : memref<112x64xf32, #tpu.memory_space<vmem>>) offsets(%dma_start3A_343 : memref<112xi32, #tpu.memory_space<vmem>>) semaphore(%arg18 : memref<!tpu.dma_semaphore, #tpu.memory_space<semaphore_mem>>)
      } else {
      }
    }
    %scan3A_78 = arith.constant 9 : i32
    %add3A_79 = arith.constant 3024 : i32
    %add3A_80 = arith.addi %multiple_of3A, %add3A_79 : i32
    %dma_start3A_81 = arith.constant 0 : i32
    %dma_start3A_82 = arith.constant 0 : i32
    %dma_start3A_83 = tpu.memref_slice %arg8[%dma_start3A_81, %dma_start3A_82] : memref<336x64xf32, #tpu.memory_space<vmem>> -> memref<104x64xf32, #tpu.memory_space<vmem>>
    %dma_start3A_84 = arith.constant 3024 : i32
    %dma_start3A_85 = tpu.memref_slice %arg6[%dma_start3A_84] : memref<3128xi32, #tpu.memory_space<vmem>> -> memref<104xi32, #tpu.memory_space<vmem>>
    %dma_start3A_86 = arith.constant 0 : i32
    %dma_start3A_87 = arith.constant 0 : i32
    %dma_start3A_88 = tpu.memref_slice %arg10[%dma_start3A_86, %dma_start3A_87] : memref<10000x64xf32, #tpu.memory_space<vmem_shared>> -> memref<10000x64xf32, #tpu.memory_space<vmem_shared>>
    tpu.enqueue_indirect_dma source(%dma_start3A_88 : memref<10000x64xf32, #tpu.memory_space<vmem_shared>>) target(%dma_start3A_83 : memref<104x64xf32, #tpu.memory_space<vmem>>) offsets(%dma_start3A_85 : memref<104xi32, #tpu.memory_space<vmem>>) semaphore(%arg13 : memref<!tpu.dma_semaphore, #tpu.memory_space<semaphore_mem>>)
    %dma_start3A_89 = arith.constant 0 : i32
    %dma_start3A_90 = arith.constant 0 : i32
    %dma_start3A_91 = tpu.memref_slice %arg9[%dma_start3A_89, %dma_start3A_90] : memref<336x64xf32, #tpu.memory_space<vmem>> -> memref<104x64xf32, #tpu.memory_space<vmem>>
    %dma_start3A_92 = arith.constant 3024 : i32
    %dma_start3A_93 = tpu.memref_slice %arg7[%dma_start3A_92] : memref<3128xi32, #tpu.memory_space<vmem>> -> memref<104xi32, #tpu.memory_space<vmem>>
    %dma_start3A_94 = arith.constant 0 : i32
    %dma_start3A_95 = arith.constant 0 : i32
    %dma_start3A_96 = tpu.memref_slice %arg11[%dma_start3A_94, %dma_start3A_95] : memref<10000x64xf32, #tpu.memory_space<vmem_shared>> -> memref<10000x64xf32, #tpu.memory_space<vmem_shared>>
    tpu.enqueue_indirect_dma source(%dma_start3A_96 : memref<10000x64xf32, #tpu.memory_space<vmem_shared>>) target(%dma_start3A_91 : memref<104x64xf32, #tpu.memory_space<vmem>>) offsets(%dma_start3A_93 : memref<104xi32, #tpu.memory_space<vmem>>) semaphore(%arg16 : memref<!tpu.dma_semaphore, #tpu.memory_space<semaphore_mem>>)
    %dma_wait3A_97 = arith.constant 0 : i32
    %dma_wait3A_98 = arith.constant 0 : i32
    %dma_wait3A_99 = tpu.memref_slice %arg8[%dma_wait3A_97, %dma_wait3A_98] : memref<336x64xf32, #tpu.memory_space<vmem>> -> memref<104x64xf32, #tpu.memory_space<vmem>>
    %dma_wait3A_100 = arith.constant 3024 : i32
    %dma_wait3A_101 = tpu.memref_slice %arg6[%dma_wait3A_100] : memref<3128xi32, #tpu.memory_space<vmem>> -> memref<104xi32, #tpu.memory_space<vmem>>
    %dma_wait3A_102 = arith.constant 0 : i32
    %dma_wait3A_103 = arith.constant 0 : i32
    %dma_wait3A_104 = tpu.memref_slice %arg10[%dma_wait3A_102, %dma_wait3A_103] : memref<10000x64xf32, #tpu.memory_space<vmem_shared>> -> memref<10000x64xf32, #tpu.memory_space<vmem_shared>>
    tpu.wait_indirect_dma semaphore(%arg13 : memref<!tpu.dma_semaphore, #tpu.memory_space<semaphore_mem>>) src(%dma_wait3A_104 : memref<10000x64xf32, #tpu.memory_space<vmem_shared>>) dst(%dma_wait3A_99 : memref<104x64xf32, #tpu.memory_space<vmem>>)
    "tpu.region"() ({
      %run_scoped3A = tpu.sem_alloc : memref<!tpu.dma_semaphore, #tpu.memory_space<semaphore_mem>>
      %dma_start3A_113 = arith.constant 0 : i32
      %dma_start3A_114 = arith.constant 0 : i32
      %dma_start3A_115 = tpu.memref_slice %arg8[%dma_start3A_113, %dma_start3A_114] : memref<336x64xf32, #tpu.memory_space<vmem>> -> memref<104x64xf32, #tpu.memory_space<vmem>>
      %dma_start3A_116 = arith.constant 0 : i32
      %dma_start3A_117 = tpu.memref_slice %arg5[%add3A_80, %dma_start3A_116] : memref<100000x128xf32, #tpu.memory_space<hbm>> -> memref<104x64xf32, #tpu.memory_space<hbm>>
      %dma_start3A_118 = arith.constant 0 : i32
      %dma_start3A_119 = tpu.memref_slice %arg5[%add3A_80, %dma_start3A_118] : memref<100000x128xf32, #tpu.memory_space<hbm>> -> memref<104x64xf32, #tpu.memory_space<hbm>>
      %dma_start3A_120 = arith.constant 0 : i32
      %dma_start3A_121 = arith.constant 0 : i32
      %dma_start3A_122 = tpu.memref_slice %arg8[%dma_start3A_120, %dma_start3A_121] : memref<336x64xf32, #tpu.memory_space<vmem>> -> memref<104x64xf32, #tpu.memory_space<vmem>>
      tpu.enqueue_dma source(%dma_start3A_122 : memref<104x64xf32, #tpu.memory_space<vmem>>) target(%dma_start3A_119 : memref<104x64xf32, #tpu.memory_space<hbm>>) target_semaphore(%run_scoped3A : memref<!tpu.dma_semaphore, #tpu.memory_space<semaphore_mem>>)
      %dma_wait3A_123 = arith.constant 0 : i32
      %dma_wait3A_124 = arith.constant 0 : i32
      %dma_wait3A_125 = tpu.memref_slice %arg8[%dma_wait3A_123, %dma_wait3A_124] : memref<336x64xf32, #tpu.memory_space<vmem>> -> memref<104x64xf32, #tpu.memory_space<vmem>>
      %dma_wait3A_126 = arith.constant 0 : i32
      %dma_wait3A_127 = tpu.memref_slice %arg5[%add3A_80, %dma_wait3A_126] : memref<100000x128xf32, #tpu.memory_space<hbm>> -> memref<104x64xf32, #tpu.memory_space<hbm>>
      %dma_wait3A_128 = arith.constant 0 : i32
      %dma_wait3A_129 = tpu.memref_slice %arg5[%add3A_80, %dma_wait3A_128] : memref<100000x128xf32, #tpu.memory_space<hbm>> -> memref<104x64xf32, #tpu.memory_space<hbm>>
      %dma_wait3A_130 = arith.constant 0 : i32
      %dma_wait3A_131 = arith.constant 0 : i32
      %dma_wait3A_132 = tpu.memref_slice %arg8[%dma_wait3A_130, %dma_wait3A_131] : memref<336x64xf32, #tpu.memory_space<vmem>> -> memref<104x64xf32, #tpu.memory_space<vmem>>
      tpu.wait_dma2 semaphore(%run_scoped3A : memref<!tpu.dma_semaphore, #tpu.memory_space<semaphore_mem>>) src(%dma_wait3A_132 : memref<104x64xf32, #tpu.memory_space<vmem>>) dst(%dma_wait3A_129 : memref<104x64xf32, #tpu.memory_space<hbm>>)
      tpu.yield
    }) : () -> ()
    %dma_wait3A_105 = arith.constant 0 : i32
    %dma_wait3A_106 = arith.constant 0 : i32
    %dma_wait3A_107 = tpu.memref_slice %arg9[%dma_wait3A_105, %dma_wait3A_106] : memref<336x64xf32, #tpu.memory_space<vmem>> -> memref<104x64xf32, #tpu.memory_space<vmem>>
    %dma_wait3A_108 = arith.constant 3024 : i32
    %dma_wait3A_109 = tpu.memref_slice %arg7[%dma_wait3A_108] : memref<3128xi32, #tpu.memory_space<vmem>> -> memref<104xi32, #tpu.memory_space<vmem>>
    %dma_wait3A_110 = arith.constant 0 : i32
    %dma_wait3A_111 = arith.constant 0 : i32
    %dma_wait3A_112 = tpu.memref_slice %arg11[%dma_wait3A_110, %dma_wait3A_111] : memref<10000x64xf32, #tpu.memory_space<vmem_shared>> -> memref<10000x64xf32, #tpu.memory_space<vmem_shared>>
    tpu.wait_indirect_dma semaphore(%arg16 : memref<!tpu.dma_semaphore, #tpu.memory_space<semaphore_mem>>) src(%dma_wait3A_112 : memref<10000x64xf32, #tpu.memory_space<vmem_shared>>) dst(%dma_wait3A_107 : memref<104x64xf32, #tpu.memory_space<vmem>>)
    "tpu.region"() ({
      %run_scoped3A = tpu.sem_alloc : memref<!tpu.dma_semaphore, #tpu.memory_space<semaphore_mem>>
      %dma_start3A_113 = arith.constant 0 : i32
      %dma_start3A_114 = arith.constant 0 : i32
      %dma_start3A_115 = tpu.memref_slice %arg9[%dma_start3A_113, %dma_start3A_114] : memref<336x64xf32, #tpu.memory_space<vmem>> -> memref<104x64xf32, #tpu.memory_space<vmem>>
      %dma_start3A_116 = arith.constant 64 : i32
      %dma_start3A_117 = tpu.memref_slice %arg5[%add3A_80, %dma_start3A_116] : memref<100000x128xf32, #tpu.memory_space<hbm>> -> memref<104x64xf32, #tpu.memory_space<hbm>>
      %dma_start3A_118 = arith.constant 64 : i32
      %dma_start3A_119 = tpu.memref_slice %arg5[%add3A_80, %dma_start3A_118] : memref<100000x128xf32, #tpu.memory_space<hbm>> -> memref<104x64xf32, #tpu.memory_space<hbm>>
      %dma_start3A_120 = arith.constant 0 : i32
      %dma_start3A_121 = arith.constant 0 : i32
      %dma_start3A_122 = tpu.memref_slice %arg9[%dma_start3A_120, %dma_start3A_121] : memref<336x64xf32, #tpu.memory_space<vmem>> -> memref<104x64xf32, #tpu.memory_space<vmem>>
      tpu.enqueue_dma source(%dma_start3A_122 : memref<104x64xf32, #tpu.memory_space<vmem>>) target(%dma_start3A_119 : memref<104x64xf32, #tpu.memory_space<hbm>>) target_semaphore(%run_scoped3A : memref<!tpu.dma_semaphore, #tpu.memory_space<semaphore_mem>>)
      %dma_wait3A_123 = arith.constant 0 : i32
      %dma_wait3A_124 = arith.constant 0 : i32
      %dma_wait3A_125 = tpu.memref_slice %arg9[%dma_wait3A_123, %dma_wait3A_124] : memref<336x64xf32, #tpu.memory_space<vmem>> -> memref<104x64xf32, #tpu.memory_space<vmem>>
      %dma_wait3A_126 = arith.constant 64 : i32
      %dma_wait3A_127 = tpu.memref_slice %arg5[%add3A_80, %dma_wait3A_126] : memref<100000x128xf32, #tpu.memory_space<hbm>> -> memref<104x64xf32, #tpu.memory_space<hbm>>
      %dma_wait3A_128 = arith.constant 64 : i32
      %dma_wait3A_129 = tpu.memref_slice %arg5[%add3A_80, %dma_wait3A_128] : memref<100000x128xf32, #tpu.memory_space<hbm>> -> memref<104x64xf32, #tpu.memory_space<hbm>>
      %dma_wait3A_130 = arith.constant 0 : i32
      %dma_wait3A_131 = arith.constant 0 : i32
      %dma_wait3A_132 = tpu.memref_slice %arg9[%dma_wait3A_130, %dma_wait3A_131] : memref<336x64xf32, #tpu.memory_space<vmem>> -> memref<104x64xf32, #tpu.memory_space<vmem>>
      tpu.wait_dma2 semaphore(%run_scoped3A : memref<!tpu.dma_semaphore, #tpu.memory_space<semaphore_mem>>) src(%dma_wait3A_132 : memref<104x64xf32, #tpu.memory_space<vmem>>) dst(%dma_wait3A_129 : memref<104x64xf32, #tpu.memory_space<hbm>>)
      tpu.yield
    }) : () -> ()
    return
  }
}

</mosaic_0001>

<sc_bundles>
// kernel: _sc_gather.3.cloned.1.call-start
scs
__scs_entry_jumppad:
0x0: {  	(pc) =	sbr.rel $0x88, $3  }
0x1: {  	(tag) =	ssettag $0x0;
	lr =	simm.s32 $0x1  }
0x2: {  	[smem:$0x3F9E] =	sst lr;
	_ =	strace $0xD0000000  }
0x3: {  	_ = 	snop  }
0x4: {  	_ = 	snop  }
0x5: {  	_ = 	snop  }
0x6: {  	_ = 	snop  }
0x7: {  	_ = 	snop  }
__scs_overlays_trampoline_lowered:
0x8: {  	[smem:$0x3FAD] =	sst s0  }
0x9: {  	[smem:$0x3FAE] =	sst s1  }
0xa: {  	[smem:$0x3FAF] =	sst s2  }
0xb: {  	[smem:$0x3FB0] =	sst s3  }
0xc: {  	[smem:$0x3FB1] =	sst s4  }
0xd: {  	[smem:$0x3FB2] =	sst s5  }
0xe: {  	[smem:$0x3FB3] =	sst s6  }
0xf: {  	[smem:$0x3FB4] =	sst s7  }
0x10: {  	[smem:$0x3FB5] =	sst s8  }
0x11: {  	[smem:$0x3FB6] =	sst s9;
	s0 =	simm.s32 @!p0 $0x0  }
0x12: {  	s1 =	sld [smem:$0x3F9C];
	s0 =	simm.s32 @p0 $0x1  }
0x13: {  	[smem:$0x3FB7] =	sst s0;
	s0 =	simm.s32 @!p1 $0x0  }
0x14: {  	s2 =	sld [smem:$0x3F9B];
	s0 =	simm.s32 @p1 $0x1  }
0x15: {  	[smem:$0x3FB8] =	sst s0;
	s0 =	simm.s32 @!p2 $0x0  }
0x16: {  	s3 =	sld [smem:$0x3FDB];
	s0 =	simm.s32 @p2 $0x1  }
0x17: {  	s4 =	simm.s32 $0x1BF5;
	[smem:$0x3FBA] =	sst s0  }
0x18: {  	s0 =	sld [smem:$0x3F9D];
	_ =	swait.ge [sflag:s4], $0x0  }
0x19: {  	s7 =	sld [smem:$0x3F9E]  }
0x1a: {  	s8 =	sadd.s32 $0xFFFFE003, lr  }
0x1b: {  	s9 =	sadd.s32 $0xFFFFFEF7, lr;
	s5 =	simm.s32 $0xFFFFFFFF;
	p2 =	slt.u32 s8, $0xFFFFF086  }
0x1c: {  	p1 =	slt.u32 s9, $0xF7A;
	s5 =	simm.s32 @!p2 $0x0  }
0x1d: {  	s5 =	simm.s32 @p1 $0x1;
	p0 =	seq.s32 s7, s2  }
0x1e: {  	s7 =	smul.u32 @!p0 $0xF7A, s2;
	p2 =	seq.s32 @!p0 s5, $0x0  }
0x1f: {  	s9 =	smul.u32 $0xF7A, s1;
	s8 =	simm.s32 @!p0 $0x1BF5;
	p2 =	por !p2, p0  }
0x20: {  	[sflag:s8] =	ssyncset.s32 @!p0 $0xFFFFF086;
	s6 =	sadd.s32 @!p0 s3, s7;
	s7 =	simm.s32 @!p0 $0x108  }
0x21: {  	s3 =	sadd.s32 s3, s9;
	s6 =	sadd.s32 @!p0 $0x88, s6;
	s7 =	simm.s32 @p2 $0x1082  }
0x22: {  	[simem:s7], [sflag:s8] =	dma.local @!p0 [hbm:s6], $0xF7A  }
0x23: {  	s9 =	sor.u32 $0xD0000000, s2;
	s6 =	simm.s32 $0x108;
	_ =	swait.ge @!p0 [sflag:s8], $0x0  }
0x24: {  	s3 =	sadd.s32 $0x88, s3;
	s6 =	simm.s32 @!p1 $0x1082;
	[sflag:s4] =	ssyncset.s32 $0xFFFFF086  }
0x25: {  	[simem:s6], [sflag:s4] =	dma.local [hbm:s3], $0xF7A  }
0x26: {  	[smem:$0x3F9E] =	sst s1;
	(tag) =	ssettag s2;
	_ =	strace s9  }
0x27: {  	s1 =	sld [smem:$0x3FAE]  }
0x28: {  	s2 =	sld [smem:$0x3FAF]  }
0x29: {  	s4 =	sld [smem:$0x3FB1]  }
0x2a: {  	p0 =	seq.s32 s5, $0x0;
	s5 =	sld [smem:$0x3FB2]  }
0x2b: {  	s6 =	sld [smem:$0x3FB3]  }
0x2c: {  	s7 =	sld [smem:$0x3FB4]  }
0x2d: {  	s3 =	simm.s32 $0x108;
	s8 =	sld [smem:$0x3FB5]  }
0x2e: {  	s3 =	simm.s32 @!p0 $0x1082;
	s9 =	sld [smem:$0x3FB6]  }
0x2f: {  	lr =	sadd.s32 s0, s3;
	s0 =	sld [smem:$0x3FAD]  }
0x30: {  	s3 =	sld [smem:$0x3FB0]  }
0x31: {  	[smem:$0x3FB9] =	sst s10  }
0x32: {  	s10 =	sld [smem:$0x3FB7];
	_ =	sdelay $0x3  }
0x33: {  	p0 =	seq.s32 s10, $0x1;
	s10 =	sld [smem:$0x3FB9];
	_ =	sdelay $0x3  }
0x34: {  	[smem:$0x3FB9] =	sst s10  }
0x35: {  	s10 =	sld [smem:$0x3FB8];
	_ =	sdelay $0x3  }
0x36: {  	p1 =	seq.s32 s10, $0x1;
	s10 =	sld [smem:$0x3FB9];
	_ =	sdelay $0x3  }
0x37: {  	[smem:$0x3FB9] =	sst s10  }
0x38: {  	s10 =	sld [smem:$0x3FBA]  }
0x39: {  	_ = 	snop;
	(pc) =	sbr.ind lr, $3  }
0x3a: {  	_ = 	snop  }
0x3b: {  	_ = 	snop  }
0x3c: {  	p2 =	seq.s32 s10, $0x1;
	s10 =	sld [smem:$0x3FB9]  }
0x3d: {  	_ =	shalt  }
0x3e: {  	_ =	shalt  }
0x3f: {  	_ =	shalt  }
0x40: {  	_ =	shalt  }
0x41: {  	_ =	shalt  }
0x42: {  	_ =	shalt  }
0x43: {  	_ =	shalt  }
0x44: {  	_ =	shalt  }
0x45: {  	_ =	shalt  }
0x46: {  	_ =	shalt  }
0x47: {  	_ =	shalt  }
0x48: {  	_ =	shalt  }
0x49: {  	_ =	shalt  }
0x4a: {  	_ =	shalt  }
0x4b: {  	_ =	shalt  }
0x4c: {  	_ =	shalt  }
0x4d: {  	_ =	shalt  }
0x4e: {  	_ =	shalt  }
0x4f: {  	_ =	shalt  }
0x50: {  	_ =	shalt  }
0x51: {  	_ =	shalt  }
0x52: {  	_ =	shalt  }
0x53: {  	_ =	shalt  }
0x54: {  	_ =	shalt  }
0x55: {  	_ =	shalt  }
0x56: {  	_ =	shalt  }
0x57: {  	_ =	shalt  }
0x58: {  	_ =	shalt  }
0x59: {  	_ =	shalt  }
0x5a: {  	_ =	shalt  }
0x5b: {  	_ =	shalt  }
0x5c: {  	_ =	shalt  }
0x5d: {  	_ =	shalt  }
0x5e: {  	_ =	shalt  }
0x5f: {  	_ =	shalt  }
0x60: {  	_ =	shalt  }
0x61: {  	_ =	shalt  }
0x62: {  	_ =	shalt  }
0x63: {  	_ =	shalt  }
0x64: {  	_ =	shalt  }
0x65: {  	_ =	shalt  }
0x66: {  	_ =	shalt  }
0x67: {  	_ =	shalt  }
0x68: {  	_ =	shalt  }
0x69: {  	_ =	shalt  }
0x6a: {  	_ =	shalt  }
0x6b: {  	_ =	shalt  }
0x6c: {  	_ =	shalt  }
0x6d: {  	_ =	shalt  }
0x6e: {  	_ =	shalt  }
0x6f: {  	_ =	shalt  }
0x70: {  	_ =	shalt  }
0x71: {  	_ =	shalt  }
0x72: {  	_ =	shalt  }
0x73: {  	_ =	shalt  }
0x74: {  	_ =	shalt  }
0x75: {  	_ =	shalt  }
0x76: {  	_ =	shalt  }
0x77: {  	_ =	shalt  }
0x78: {  	_ =	shalt  }
0x79: {  	_ =	shalt  }
0x7a: {  	_ =	shalt  }
0x7b: {  	_ =	shalt  }
0x7c: {  	_ =	shalt  }
0x7d: {  	_ =	shalt  }
0x7e: {  	_ =	shalt  }
0x7f: {  	_ =	shalt  }
0x80: {  	_ =	shalt  }
0x81: {  	_ =	shalt  }
0x82: {  	_ =	shalt  }
0x83: {  	_ =	shalt  }
0x84: {  	_ =	shalt  }
0x85: {  	_ =	shalt  }
0x86: {  	_ =	shalt  }
0x87: {  	_ =	shalt  }
.Lfunc_end0:
.L_simem_size_0:
called_computation_lowered:
.L_overlay_start_0:
0x88: {  	s2 =	sld [smem:$0x3FD9]  }
0x89: {  	s3 =	sld [smem:$0x3FFE];
	_ =	sdelay $0x1  }
0x8a: {  	s1 =	srdreg.scid  }
0x8b: {  	s0 =	sand.u32 $0x1, s1  }
0x8c: {  	s17 =	sshll.u32 s0, $0xA;
	s2 =	sadd.s32 s3, s2  }
0x8d: {  	s2 =	sadd.s32 s2, s17  }
0x8e: {  	[smem:$0x3FC5] =	sst s2  }
0x8f: {  	_ = 	snop  }
0x90: {  	s2 =	sld [smem:$0x3FC9]  }
0x91: {  	s18 =	sld [smem:$0x3FD0];
	(tm) =	ssettm $0x1  }
0x92: {  	s4 =	sld [smem:$0x3FFB];
	_ =	sdelay $0x3  }
0x93: {  	_ =	strace s4  }
0x94: {  	s4 =	sld [smem:$0x3FFC];
	_ =	sdelay $0x3  }
0x95: {  	_ =	strace s4  }
0x96: {  	s4 =	sld [smem:$0x3FFD];
	_ =	sdelay $0x3  }
0x97: {  	_ =	strace s4  }
0x98: {  	_ =	strace $0x8FFFFFFF  }
0x99: {  	s19 =	sld [smem:$0x3FDB];
	_ =	sdelay $0x1  }
0x9a: {  	s5 =	simm.s32 $_scs_section_size  }
0x9b: {  	s6 =	simm.s32 $_size__tile_overlayer_lowered;
	s7 =	simm.s32 $_tile_overlayer_lowered  }
0x9c: {  	s22 =	simm.s32 $0x1BFF;
	s21 =	sshll.u32 s7, $0x1;
	s4 =	sadd.s32 s5, s19  }
0x9d: {  	s8 =	simm.s32 $0x0;
	s20 =	sshll.u32 s6, $0x1;
	s6 =	sadd.s32 s21, s4  }
0x9e: {  	[timem:s8], [sflag:s22] =	dma.local [hbm:s6], s20  }
0x9f: {  	_ =	swait.ge [sflag:s22], s20  }
0xa0: {  	s5 =	ssub.s32 $0x0, s20;
	[sflag:s22] =	ssyncset.done $0x0  }
0xa1: {  	[sflag:s22] =	ssyncadd.s32 s5;
	_ =	sdelay $0x1  }
0xa2: {  	s23 =	simm.s32 $0x1B8B  }
0xa3: {  	_ =	swait.ge [sflag:s23], $0x1  }
0xa4: {  	[sflag:s23] =	ssyncset.done $0x0  }
0xa5: {  	s25 =	simm.s32 $0x1B8E;
	s24 =	sld [smem:$0x3FFE];
	[sflag:s23] =	ssyncadd.s32 $0xFFFFFFFF  }
0xa6: {  	s26 =	simm.s32 $execute0_lowered;
	[smem:$0x3FD2] =	sst s25  }
0xa7: {  	s6 =	sshll.u32 s26, $0x1;
	_ =	strace $0x80000046;
	[dreg:$0x1] =	wrdreg $0xFFFFFFFF  }
0xa8: {  	s28 =	simm.s32 $_size_execute0_lowered;
	s4 =	sadd.s32 s4, s6;
	[dreg:$0x0] =	wrdreg $0x0  }
0xa9: {  	s6 =	sshll.u32 s28, $0x1;
	[dreg:$0x2] =	wrdreg s4  }
0xaa: {  	[dreg:$0x3] =	wrdreg s6  }
0xab: {  	[dreg:$0x4] =	wrdreg $0xC0  }
0xac: {  	_ =	task [dreg:s8], $0x5FFFF  }
0xad: {  	[dreg:$0x1] =	wrdreg $0xFFFFFFFF  }
0xae: {  	[dreg:$0x0] =	wrdreg $0x60  }
0xaf: {  	[dreg:$0x2] =	wrdreg s2  }
0xb0: {  	[dreg:$0x3] =	wrdreg s24  }
0xb1: {  	[dreg:$0x4] =	wrdreg s18  }
0xb2: {  	[dreg:$0x5] =	wrdreg $0xC0700  }
0xb3: {  	[dreg:$0x6] =	wrdreg $0x15CB00  }
0xb4: {  	[dreg:$0x7] =	wrdreg $0x9  }
0xb5: {  	_ =	task.clear_ibuf [dreg:s8], $0x8FFFF;
	_ =	strace $0x90000046  }
0xb6: {  	s29 =	simm.s32 $0x9;
	_ =	strace $0x80000048  }
0xb7: {  	_ =	swait.ge [sflag:s29], $0x1  }
0xb8: {  	[sflag:s29] =	ssyncadd.s32 $0xFFFFFFFF  }
0xb9: {  	_ =	strace $0x90000048  }
0xba: {  	_ =	sfence  }
0xbb: {  	s30 =	sld [smem:$0x0];
	_ =	sdelay $0x2  }
0xbc: {  	s31 =	sshll.u32 s1, $0xD;
	s1 =	sshrl.u32 s1, $0x2  }
0xbd: {  	s3 =	sand.u32 $0x4000, s31;
	s1 =	sadd.s32 s1, s30  }
0xbe: {  	s0 =	sor.u32 s3, s0;
	s1 =	sshll.u32 s1, $0x11  }
0xbf: {  	s0 =	sor.u32 s1, s0  }
0xc0: {  	s0 =	sadd.s32 $0x8F2B, s0  }
0xc1: {  	[sflag:s0] =	ssyncadd.remote.s32 $0x1  }
0xc2: {  	_ =	sfence.sel $0xFFFF  }
0xc3: {  	[dreg:$0x0] =	wrdreg $0xFFFFFFFF;
	(pc) =	sbr.abs _section_cstart, $3  }
0xc4: {  	[dreg:$0x1] =	wrdreg $0xFFFFFFFF  }
0xc5: {  	_ =	task.clear_ibuf [dreg:s8], $0x2FFFF;
	_ =	strace $0x9FFFFFFF  }
0xc6: {  	(tm) =	ssettm $0x7FFFFFFF  }
0xc7: {  	_ =	shalt  }
tec
execute0_lowered:
.L_overlay_start_1:
0x0: {  	(tag) =	ssettag $0x1  }
0x1: {  	s0 =	rddreg [dreg:$0x0]  }
0x2: {  	s3 =	rddreg [dreg:$0x1]  }
0x3: {  	s1 =	rddreg [dreg:$0x2]  }
0x4: {  	s2 =	rddreg [dreg:$0x3]  }
0x5: {  	s4 =	rddreg [dreg:$0x4];
	s5 =	simm.s32 $0x0  }
0x6: {  	s15 =	stileid.u32;
	s20 =	srdreg.scid;
	s28 =	simm.s32 $0x3470  }
0x7: {  	s30 =	simm.s32 $0x8870;
	s29 =	simm.s32 $0xA470;
	s31 =	simm.s32 $0x2  }
0x8: {  	[smem:$0x7FF] =	sst s5;
	s6 =	smul.u32 $0x278, s15;
	s5 =	sand.u32 $0x1, s20  }
0x9: {  	s7 =	sshll.u32 s15, $0x1;
	s21 =	sshll.u32 s15, $0x6;
	s14 =	smul.u32 $0x186A, s15  }
0xa: {  	s26 =	sadd.s32 $0x3FEA, s15;
	_ =	strace $0x80000047;
	s8 =	sor.u32 s5, s7  }
0xb: {  	s9 =	ssub.s32 $0x2, s5;
	s25 =	smul.u32 $0x3, s5;
	[dreg:$0xa] =	wrdreg s26  }
0xc: {  	s6 =	smin.u32 s6, $0x2498;
	s10 =	smul.u32 $0x5, s8;
	s12 =	sshrl.u32 s9, $0x1  }
0xd: {  	s8 =	smul.u32 $0xC35, s8;
	s11 =	sshll.u32 s6, $0x3;
	s9 =	ssub.s32 s9, s12  }
0xe: {  	s6 =	sshll.u32 s6, $0x6;
	s12 =	sadd.s32 $0x8, s1;
	s16 =	ssub.s32 s7, s25  }
0xf: {  	s3 =	sadd.s32 s11, s3;
	s10 =	sand.u32 $0x7, s10;
	s11 =	sadd.s32 s6, s2  }
0x10: {  	s6 =	sadd.s32 s6, s4;
	s8 =	ssub.s32 s8, s10;
	s22 =	sadd.s32 $0x600, s3  }
0x11: {  	s10 =	sor.u32 $0x1C01, s21;
	s3 =	sadd.s32 $0x14000, s3;
	[dreg:$0x6] =	wrdreg s22  }
0x12: {  	s25 =	sshrl.u32 s11, $0x3;
	s26 =	sshrl.u32 s6, $0x3;
	[dreg:$0x7] =	wrdreg s10  }
0x13: {  	s6 =	simm.s32 $0x80;
	s11 =	simm.s32 $0x4;
	[dreg:$0x8] =	wrdreg s3  }
0x14: {  	s23 =	sshrl.u32 s8, $0x3;
	s24 =	sadd.s32 $0x186A0, s8;
	[dreg:$0x12] =	wrdreg s25  }
0x15: {  	s13 =	sand.u32 $0x7, s8;
	s15 =	sshll.u32 s8, $0x7;
	[dreg:$0x13] =	wrdreg s26  }
0x16: {  	s25 =	simm.s32 $0x1870;
	s26 =	simm.s32 $0x6C70;
	s8 =	simm.s32 $0x5  }
0x17: {  	s10 =	simm.s32 $0x6;
	s3 =	sadd.s32 s0, s23;
	s17 =	sadd.s32 $0x5E800, s15  }
0x18: {  	s23 =	smax.u32 s9, $0x1;
	p0 =	seq.s32 s13, $0x0;
	s9 =	simm.s32 $0x3  }
0x19: {  	s13 =	simm.s32 $0x7;
	[dreg:$0x9] =	wrdreg s3;
	s3 =	sshrl.u32 s24, $0x3  }
0x1a: {  	s7 =	sshrl.u32 s17, $0x3;
	[dreg:$0xf] =	wrdreg s23;
	s17 =	simm.s32 $0x9  }
0x1b: {  	s0 =	sadd.s32 s0, s3;
	s3 =	smul.u32 $0xC35, s5;
	s5 =	sand.u32 $0x7, s16  }
0x1c: {  	s18 =	sadd.s32 s1, s7;
	s16 =	simm.s32 $0xB;
	s7 =	simm.s32 $0x0  }
0x1d: {  	[dreg:$0xb] =	wrdreg s0;
	s0 =	sadd.s32 s3, s14;
	s3 =	sadd.s32 $0x5E840, s15  }
0x1e: {  	[dreg:$0xc] =	wrdreg s18;
	s0 =	ssub.s32 s0, s5;
	s3 =	sshrl.u32 s3, $0x3  }
0x1f: {  	s18 =	simm.s32 $0xC;
	s19 =	sshll.u32 s0, $0x4;
	s20 =	sadd.s32 s1, s3  }
0x20: {  	s15 =	simm.s32 $0x8;
	[dreg:$0xe] =	wrdreg s20;
	s21 =	sadd.s32 $0xE00, s19  }
.Ltmp0:
0x21: {  	[dreg:$0xd] =	wrdreg s19;
	s22 =	sadd.s32 $0x700, s19;
	(pc) =	sbr.rel .LBB2_1-.Ltmp0, $4  }
0x22: {  	s20 =	simm.s32 $0xE;
	s19 =	simm.s32 $0xA;
	s0 =	sand.u32 $0x1FFFFF0, s21  }
0x23: {  	s3 =	sand.u32 $0x1FFFFF0, s22;
	s22 =	simm.s32 $0xD;
	s0 =	sadd.s32 s0, s12  }
0x24: {  	s24 =	sadd.s32 s3, s12;
	s3 =	simm.s32 $0x40;
	[dreg:$0x10] =	wrdreg s0  }
0x25: {  	[dreg:$0x11] =	wrdreg s24;
	s24 =	simm.s32 $0x70;
	s0 =	simm.s32 $0x5070  }
.LBB2_4:
0x26: {  	s5 =	simm.s32 $0x68;
	s7 =	simm.s32 $0xBD0  }
0x27: {  	[tilespmem:s25], [sflag:$0x2] =	stream.indirect.gather [spmem:s2], $0x40, s7, s5, $0xb8;
	[tilespmem:$0x1F8F0] =	vst v63  }
0x28: {  	s23 =	simm.s32 $0x1808  }
0x29: {  	[tilespmem:s26], [sflag:$0x5] =	stream.indirect.gather [spmem:s4], $0x40, s23, s5, $0xb8;
	[tilespmem:$0x1F8F0] =	vst v63  }
0x2a: {  	_ =	swait.ge [sflag:s31], $0x1A00  }
0x2b: {  	[sflag:s31] =	ssyncset.done $0x0  }
0x2c: {  	s20 =	simm.s32 $0xE;
	s7 =	rddreg [dreg:$0xc];
	[sflag:s31] =	ssyncadd.s32 $0xFFFFE600  }
0x2d: {  	[hbm4b:s7+s3] =	stream.strided.scatter [tilespmem:s25], [sflag:$0xE], $0x1A00, s6, s3, $0x38;
	[tilespmem:$0x1F8F0] =	vst v63  }
0x2e: {  	_ =	swait.ge [sflag:s20], $0x1A00  }
0x2f: {  	[sflag:s20] =	ssyncset.done $0x0  }
0x30: {  	[sflag:s20] =	ssyncadd.s32 $0xFFFFE600  }
0x31: {  	_ =	swait.ge [sflag:s8], $0x1A00  }
0x32: {  	[sflag:s8] =	ssyncset.done $0x0  }
0x33: {  	s14 =	rddreg [dreg:$0xe];
	[sflag:s8] =	ssyncadd.s32 $0xFFFFE600  }
0x34: {  	[hbm4b:s14+s3] =	stream.strided.scatter [tilespmem:s26], [sflag:$0xE], $0x1A00, s6, s3, $0x38;
	[tilespmem:$0x1F8F0] =	vst v63  }
0x35: {  	_ =	swait.ge [sflag:s20], $0x1A00  }
0x36: {  	s21 =	rddreg [dreg:$0x14]  }
0x37: {  	s23 =	rddreg [dreg:$0xf];
	s7 =	sadd.s32 $0x1, s21  }
0x38: {  	p1 =	sne.s32 s7, s23  }
.Ltmp1:
0x39: {  	_ = 	snop;
	(pc) =	sbr.rel @!p1 .LBB2_5-.Ltmp1, $3  }
0x3a: {  	_ =	sdelay $0x1  }
0x3b: {  	[sflag:s20] =	ssyncset.done $0x0  }
0x3c: {  	[sflag:s20] =	ssyncadd.s32 $0xFFFFE600  }
.LBB2_1:
0x3d: {  	[dreg:$0x14] =	wrdreg s7  }
0x3e: {  	s5 =	rddreg [dreg:$0x6]  }
0x3f: {  	s23 =	rddreg [dreg:$0x7]  }
0x40: {  	s14 =	rddreg [dreg:$0x12]  }
0x41: {  	[spmem:s14], [sflag:s23] =	dma.local [hbm:s5], $0x13C0  }
0x42: {  	s5 =	rddreg [dreg:$0x8]  }
0x43: {  	s14 =	rddreg [dreg:$0x13]  }
0x44: {  	[spmem:s14], [sflag:s23] =	dma.local [hbm:s5], $0x13C0  }
0x45: {  	s14 =	simm.s32 $0x0;
	s5 =	rddreg [dreg:$0x9]  }
0x46: {  	[tilespmem:s14], [sflag:$0xE] =	stream.linear.gather [hbm4b:s5+s14], $0xC38, $0x38;
	[tilespmem:$0x1F8F0] =	vst v63  }
0x47: {  	_ =	swait.ge [sflag:s20], $0xC38  }
0x48: {  	s5 =	sld [smem:$0x7FF];
	_ =	sdelay $0x2  }
0x49: {  	p1 =	sne.s32 @!p0 s5, $0x1  }
0x4a: {  	[sflag:s20] =	ssyncset.done $0x0;
	s5 =	rddreg [dreg:$0xa];
	p1 =	por !p1, p0  }
0x4b: {  	[sflag:s20] =	ssyncadd.s32 $0xFFFFF3C8;
	s5 =	sor.u32 @!p1 $0x100000, s5  }
0x4c: {  	[smem:s5], [sflag:$0x0] =	smem.add.s32 @!p1 $0x3E;
	s5 =	simm.s32 @!p1 $0x0  }
0x4d: {  	s7 =	simm.s32 @!p1 $0x1;
	_ =	swait.done @!p1 [sflag:s5]  }
0x4e: {  	[smem:$0x7FF] =	sst @!p1 s7  }
0x4f: {  	_ =	sint @!p1 $0x2  }
0x50: {  	_ =	swait.notdone @!p1 [sflag:s5]  }
0x51: {  	s21 =	simm.s32 $0xC38;
	s5 =	rddreg [dreg:$0xb]  }
0x52: {  	[tilespmem:s21], [sflag:$0xE] =	stream.linear.gather [hbm4b:s5+s14], $0xC38, $0x38;
	[tilespmem:$0x1F8F0] =	vst v63  }
0x53: {  	_ =	swait.ge [sflag:s20], $0xC38  }
0x54: {  	[sflag:s20] =	ssyncset.done $0x0  }
0x55: {  	s23 =	simm.s32 $0x1;
	[sflag:s20] =	ssyncadd.s32 $0xFFFFF3C8  }
0x56: {  	_ =	swait.ge [sflag:s23], $0x13C0  }
0x57: {  	[sflag:s23] =	ssyncset.done $0x0  }
0x58: {  	[sflag:s23] =	ssyncadd.s32 $0xFFFFEC40  }
0x59: {  	_ =	swait.ge [sflag:s23], $0x13C0  }
0x5a: {  	[sflag:s23] =	ssyncset.done $0x0  }
0x5b: {  	[sflag:s23] =	ssyncadd.s32 $0xFFFFEC40  }
0x5c: {  	[bflag:$0x0] =	sbarrier.arrive $0xFFFF  }
0x5d: {  	[tilespmem:s25], [sflag:$0x2] =	stream.indirect.gather [spmem:s2], $0x40, s14, s24, $0xb8;
	[tilespmem:$0x1F8F0] =	vst v63  }
0x5e: {  	_ = 	snop  }
0x5f: {  	[tilespmem:s26], [sflag:$0x5] =	stream.indirect.gather [spmem:s4], $0x40, s21, s24, $0xb8;
	[tilespmem:$0x1F8F0] =	vst v63  }
0x60: {  	_ = 	snop  }
0x61: {  	[tilespmem:s28], [sflag:$0x3] =	stream.indirect.gather [spmem:s2], $0x40, s24, s24, $0xb8;
	[tilespmem:$0x1F8F0] =	vst v63  }
0x62: {  	s20 =	simm.s32 $0xCA8  }
0x63: {  	[tilespmem:s30], [sflag:$0x6] =	stream.indirect.gather [spmem:s4], $0x40, s20, s24, $0xb8;
	[tilespmem:$0x1F8F0] =	vst v63  }
0x64: {  	s5 =	rddreg [dreg:$0xd];
	s21 =	simm.s32 $0xE0  }
0x65: {  	[tilespmem:s0], [sflag:$0x4] =	stream.indirect.gather [spmem:s2], $0x40, s21, s24, $0xb8;
	[tilespmem:$0x1F8F0] =	vst v63  }
0x66: {  	s23 =	simm.s32 $0xD18;
	s7 =	rddreg [dreg:$0x11]  }
0x67: {  	[tilespmem:s29], [sflag:$0x7] =	stream.indirect.gather [spmem:s4], $0x40, s23, s24, $0xb8;
	[tilespmem:$0x1F8F0] =	vst v63  }
0x68: {  	s20 =	simm.s32 $0x0;
	s23 =	rddreg [dreg:$0x10]  }
.LBB2_2:
0x69: {  	_ =	swait.ge [sflag:s31], $0x1C00  }
0x6a: {  	s21 =	sand.u32 $0x1FFFFFF0, s5;
	[sflag:s31] =	ssyncset.done $0x0  }
0x6b: {  	s14 =	sadd.s32 s1, s21;
	[sflag:s31] =	ssyncadd.s32 $0xFFFFE400  }
0x6c: {  	[hbm4b:s14+s3] =	stream.strided.scatter [tilespmem:s25], [sflag:$0x8], $0x1C00, s6, s3, $0x38;
	[tilespmem:$0x1F8F0] =	vst v63  }
0x6d: {  	_ =	swait.ge [sflag:s8], $0x1C00  }
0x6e: {  	[sflag:s8] =	ssyncset.done $0x0  }
0x6f: {  	s21 =	sadd.s32 s21, s12;
	[sflag:s8] =	ssyncadd.s32 $0xFFFFE400  }
0x70: {  	[hbm4b:s21+s3] =	stream.strided.scatter [tilespmem:s26], [sflag:$0xB], $0x1C00, s6, s3, $0x38;
	[tilespmem:$0x1F8F0] =	vst v63  }
0x71: {  	_ =	swait.ge [sflag:s9], $0x1C00  }
0x72: {  	[sflag:s9] =	ssyncset.done $0x0  }
0x73: {  	s21 =	sadd.s32 $0xFFFFFFF8, s7;
	[sflag:s9] =	ssyncadd.s32 $0xFFFFE400  }
0x74: {  	[hbm4b:s21+s3] =	stream.strided.scatter [tilespmem:s28], [sflag:$0x9], $0x1C00, s6, s3, $0x38;
	[tilespmem:$0x1F8F0] =	vst v63  }
0x75: {  	_ =	swait.ge [sflag:s10], $0x1C00  }
0x76: {  	[sflag:s10] =	ssyncset.done $0x0  }
0x77: {  	[sflag:s10] =	ssyncadd.s32 $0xFFFFE400  }
0x78: {  	[hbm4b:s7+s3] =	stream.strided.scatter [tilespmem:s30], [sflag:$0xC], $0x1C00, s6, s3, $0x38;
	[tilespmem:$0x1F8F0] =	vst v63  }
0x79: {  	_ =	swait.ge [sflag:s11], $0x1C00  }
0x7a: {  	[sflag:s11] =	ssyncset.done $0x0  }
0x7b: {  	s21 =	sadd.s32 $0xFFFFFFF8, s23;
	[sflag:s11] =	ssyncadd.s32 $0xFFFFE400  }
0x7c: {  	[hbm4b:s21+s3] =	stream.strided.scatter [tilespmem:s0], [sflag:$0xA], $0x1C00, s6, s3, $0x38;
	[tilespmem:$0x1F8F0] =	vst v63  }
0x7d: {  	_ =	swait.ge [sflag:s13], $0x1C00  }
0x7e: {  	[sflag:s13] =	ssyncset.done $0x0  }
0x7f: {  	[sflag:s13] =	ssyncadd.s32 $0xFFFFE400  }
0x80: {  	[hbm4b:s23+s3] =	stream.strided.scatter [tilespmem:s29], [sflag:$0xD], $0x1C00, s6, s3, $0x38;
	[tilespmem:$0x1F8F0] =	vst v63  }
0x81: {  	_ =	swait.ge [sflag:s15], $0x1C00  }
0x82: {  	[sflag:s15] =	ssyncset.done $0x0  }
0x83: {  	[sflag:s15] =	ssyncadd.s32 $0xFFFFE400  }
0x84: {  	_ =	swait.ge [sflag:s16], $0x1C00  }
0x85: {  	[sflag:s16] =	ssyncset.done $0x0  }
0x86: {  	[sflag:s16] =	ssyncadd.s32 $0xFFFFE400  }
0x87: {  	_ =	swait.ge [sflag:s17], $0x1C00  }
0x88: {  	[sflag:s17] =	ssyncset.done $0x0  }
0x89: {  	[sflag:s17] =	ssyncadd.s32 $0xFFFFE400  }
0x8a: {  	_ =	swait.ge [sflag:s18], $0x1C00  }
0x8b: {  	[sflag:s18] =	ssyncset.done $0x0  }
0x8c: {  	[sflag:s18] =	ssyncadd.s32 $0xFFFFE400  }
0x8d: {  	p1 =	seq.s32 s20, $0x2A00;
	_ =	swait.ge [sflag:s19], $0x1C00  }
.Ltmp2:
0x8e: {  	[sflag:s19] =	ssyncset.done $0x0;
	(pc) =	sbr.rel @p1 .LBB2_4-.Ltmp2, $4  }
0x8f: {  	[sflag:s19] =	ssyncadd.s32 $0xFFFFE400  }
0x90: {  	_ =	swait.ge [sflag:s22], $0x1C00  }
0x91: {  	[sflag:s22] =	ssyncset.done $0x0  }
0x92: {  	[sflag:s22] =	ssyncadd.s32 $0xFFFFE400  }
0x93: {  	s14 =	sshra.s32 s20, $0x2  }
0x94: {  	s21 =	sadd.s32 $0x150, s14  }
0x95: {  	[tilespmem:s25], [sflag:$0x2] =	stream.indirect.gather [spmem:s2], $0x40, s21, s24, $0xb8;
	[tilespmem:$0x1F8F0] =	vst v63  }
0x96: {  	s21 =	sadd.s32 $0xD88, s14  }
0x97: {  	[tilespmem:s26], [sflag:$0x5] =	stream.indirect.gather [spmem:s4], $0x40, s21, s24, $0xb8;
	[tilespmem:$0x1F8F0] =	vst v63  }
0x98: {  	s21 =	sadd.s32 $0x1C0, s14  }
0x99: {  	[tilespmem:s28], [sflag:$0x3] =	stream.indirect.gather [spmem:s2], $0x40, s21, s24, $0xb8;
	[tilespmem:$0x1F8F0] =	vst v63  }
0x9a: {  	s21 =	sadd.s32 $0xDF8, s14  }
0x9b: {  	[tilespmem:s30], [sflag:$0x6] =	stream.indirect.gather [spmem:s4], $0x40, s21, s24, $0xb8;
	[tilespmem:$0x1F8F0] =	vst v63  }
.Ltmp3:
0x9c: {  	_ = 	snop;
	(pc) =	sbr.rel .LBB2_2-.Ltmp3, $4  }
0x9d: {  	s23 =	sadd.s32 $0x1500, s23;
	s7 =	sadd.s32 $0x1500, s7;
	s21 =	sadd.s32 $0x230, s14  }
0x9e: {  	[tilespmem:s0], [sflag:$0x4] =	stream.indirect.gather [spmem:s2], $0x40, s21, s24, $0xb8;
	[tilespmem:$0x1F8F0] =	vst v63  }
0x9f: {  	s20 =	sadd.s32 $0x540, s20;
	s5 =	sadd.s32 $0x1500, s5;
	s14 =	sadd.s32 $0xE68, s14  }
0xa0: {  	[tilespmem:s29], [sflag:$0x7] =	stream.indirect.gather [spmem:s4], $0x40, s14, s24, $0xb8;
	[tilespmem:$0x1F8F0] =	vst v63  }
.LBB2_5:
0xa1: {  	_ =	sfence.sel $0x180000  }
0xa2: {  	[bflag:$0x0] =	sbarrier.arrive $0xFFFF  }
0xa3: {  	_ =	strace $0x90000047  }
0xa4: {  	s0 =	stileid.u32;
	[bflag:$0x2] =	sbarrier.arrive $0xFFFF  }
0xa5: {  	p0 =	sne.s32 s0, $0x0;
	s0 =	rddreg [dreg:$0x5]  }
0xa6: {  	s0 =	sadd.s32 @!p0 $0x100000, s0  }
0xa7: {  	[sflag:s0] =	ssyncadd.tile.s32 @!p0 $0x1;
	_ =	shalt  }
.Lfunc_end2:
_tile_overlayer_lowered:
.L_overlay_start_2:
0xa8: {  	(tag) =	ssettag $0x2  }
0xa9: {  	s0 =	rddreg [dreg:$0x0];
	s2 =	stileid.u32  }
0xaa: {  	s1 =	rddreg [dreg:$0x1];
	p0 =	sne.s32 s2, $0x0  }
0xab: {  	s3 =	rddreg [dreg:$0x2];
	[bflag:$0x3] =	sbarrier.arrive $0xFFFF;
	s2 =	simm.s32 @!p0 $0x1C0E  }
0xac: {  	[timem:s3], [sflag:s2] =	dma.local @!p0 [hbm:s0], s1  }
0xad: {  	s0 =	simm.s32 @!p0 $0xE  }
0xae: {  	_ =	swait.ge @!p0 [sflag:s0], s1  }
0xaf: {  	s1 =	ssub.s32 @!p0 $0x0, s1;
	[sflag:s0] =	ssyncset.done @!p0 $0x0  }
0xb0: {  	[sflag:s0] =	ssyncadd.s32 @!p0 s1  }
0xb1: {  	[bflag:$0x3] =	sbarrier.arrive $0xFFFF  }
0xb2: {  	_ =	shalt  }

</sc_bundles>
